<compile_context>
chip_gen: v7x
topology: tpu7x:2x2x1
jax: 0.10.2.dev20260603
libtpu: 0.0.44.dev20260713+nightly
codegen_flags: <defaults>
</compile_context>

<pallas_src>
import functools

import jax
import jax.numpy as jnp
from jax import lax
from jax.experimental import pallas as pl
from jax.experimental.pallas import tpu as pltpu
from jax.experimental.pallas import tpu_sc as plsc

_BT = 256
_BTS = 256


def _router_body(x_ref, gate_w_ref, logits_ref, pos1_ref, pos2_ref, w1_ref,
                 w2_ref, te_ref, act_ref):
    T = x_ref.shape[0]
    E = gate_w_ref.shape[0]
    BTS = _BTS
    NT = te_ref.shape[0]
    logits = jax.lax.dot_general(
        x_ref[...], gate_w_ref[...], (((1,), (1,)), ((), ())),
        preferred_element_type=jnp.float32)
    logits_ref[...] = logits
    s = jax.nn.sigmoid(logits)
    eidx = jax.lax.broadcasted_iota(jnp.int32, (T, E), 1)
    s_left = jnp.roll(s, -1, axis=1)
    s_right = jnp.roll(s, 1, axis=1)
    even = (eidx % 2) == 0
    gsc = s + jnp.where(even, s_left, s_right)
    glane = eidx >> 1
    m1 = jnp.max(gsc, axis=1, keepdims=True)
    i1g = jnp.min(jnp.where(gsc == m1, glane, 99), axis=1, keepdims=True)
    g2 = jnp.where(glane == i1g, -jnp.inf, gsc)
    m2 = jnp.max(g2, axis=1, keepdims=True)
    i2g = jnp.min(jnp.where(g2 == m2, glane, 99), axis=1, keepdims=True)
    emask = (glane == i1g) | (glane == i2g)
    ms = s * emask.astype(jnp.float32)
    v1 = jnp.max(ms, axis=1, keepdims=True)
    j1 = jnp.min(jnp.where(ms == v1, eidx, 99), axis=1, keepdims=True)
    ms2 = jnp.where(eidx == j1, -jnp.inf, ms)
    v2 = jnp.max(ms2, axis=1, keepdims=True)
    j2 = jnp.min(jnp.where(ms2 == v2, eidx, 99), axis=1, keepdims=True)
    denom = jnp.maximum(v1 + v2, 1e-12)
    w1_ref[...] = v1 / denom
    w2_ref[...] = v2 / denom

    H1 = (eidx == j1).astype(jnp.int32)
    H2 = (eidx == j2).astype(jnp.int32)
    Hsum = (H1 + H2).astype(jnp.float32)
    CB = 512
    ri = jax.lax.broadcasted_iota(jnp.int32, (CB, CB), 0)
    ci = jax.lax.broadcasted_iota(jnp.int32, (CB, CB), 1)
    tril = (ri > ci).astype(jnp.bfloat16)
    chunks = []
    carry = jnp.zeros((1, E), jnp.float32)
    for c in range(T // CB):
        Hc = Hsum[c * CB:(c + 1) * CB, :]
        Cc = jax.lax.dot_general(
            tril, Hc.astype(jnp.bfloat16), (((1,), (0,)), ((), ())),
            preferred_element_type=jnp.float32)
        chunks.append(Cc + carry)
        carry = carry + jnp.sum(Hc, axis=0, keepdims=True)
    C = jnp.concatenate(chunks, axis=0).astype(jnp.int32)
    cnt = carry.astype(jnp.int32)
    pc = ((cnt + (BTS - 1)) // BTS) * BTS
    lane8 = jax.lax.broadcasted_iota(jnp.int32, (1, E), 1)
    ra = jax.lax.broadcasted_iota(jnp.int32, (E, E), 0)
    cb = jax.lax.broadcasted_iota(jnp.int32, (E, E), 1)
    ltu = (ra < cb).astype(jnp.float32)
    off = jnp.dot(pc.astype(jnp.float32), ltu,
                  preferred_element_type=jnp.float32).astype(jnp.int32)
    rank1 = jnp.sum(H1 * C, axis=1, keepdims=True)
    rank2 = jnp.sum(H2 * C, axis=1, keepdims=True)
    pos1_ref[...] = jnp.sum(H1 * off, axis=1, keepdims=True) + rank1
    pos2_ref[...] = jnp.sum(H2 * off, axis=1, keepdims=True) + rank2

    jrow = jax.lax.broadcasted_iota(jnp.int32, (NT, E), 0) * BTS
    offb = jnp.broadcast_to(off, (NT, E))
    pcb = jnp.broadcast_to(pc, (NT, E))
    eb = jax.lax.broadcasted_iota(jnp.int32, (NT, E), 1)
    inseg = (jrow >= offb) & (jrow < offb + pcb)
    te_col = jnp.sum(jnp.where(inseg, eb, 0), axis=1, keepdims=True)
    total = jnp.sum(pc, axis=1, keepdims=True)
    te_last = jnp.max(jnp.where(pc > 0, lane8, 0), axis=1, keepdims=True)
    act_col = (jrow[:, 0:1] < jnp.broadcast_to(total, (NT, 1)))
    te_ref[...] = jnp.where(act_col, te_col, jnp.broadcast_to(te_last, (NT, 1)))
    act_ref[...] = act_col.astype(jnp.int32)


def _ffn_body(te_ref, act_ref, xs_ref, wg_ref, wu_ref, wd_ref,
              out_ref):
    j = pl.program_id(0)

    @pl.when(act_ref[j] == 1)
    def _():
        x = xs_ref[...]
        gate = jax.lax.dot_general(x, wg_ref[0], (((1,), (1,)), ((), ())),
                                   preferred_element_type=jnp.float32)
        up = jax.lax.dot_general(x, wu_ref[0], (((1,), (1,)), ((), ())),
                                 preferred_element_type=jnp.float32)
        h = gate * jax.nn.sigmoid(gate) * up
        y = jax.lax.dot_general(h, wd_ref[0], (((1,), (1,)), ((), ())),
                                preferred_element_type=jnp.float32)
        out_ref[...] = y


def _shared_body(x_ref, wg_ref, wu_ref, wd_ref, out_ref):
    x = x_ref[...]
    gate = jax.lax.dot_general(x, wg_ref[...], (((1,), (1,)), ((), ())),
                               preferred_element_type=jnp.float32)
    up = jax.lax.dot_general(x, wu_ref[...], (((1,), (1,)), ((), ())),
                             preferred_element_type=jnp.float32)
    h = gate * jax.nn.sigmoid(gate) * up
    y = jax.lax.dot_general(h, wd_ref[...], (((1,), (1,)), ((), ())),
                            preferred_element_type=jnp.float32)
    out_ref[...] = y


def _final_add_body(ysh_ref, moe1_ref, moe2_ref, w1_ref, w2_ref, out_ref):
    out_ref[...] = (moe1_ref[...] * w1_ref[...] +
                    moe2_ref[...] * w2_ref[...]) + ysh_ref[...]


def kernel(hidden_states, gate_w, expert_gate, expert_up, expert_down,
           shared_gate_w, shared_up_w, shared_down_w):
    bsz, seq, dim = hidden_states.shape
    T = bsz * seq
    E, I, D = expert_gate.shape
    SH = shared_gate_w.shape[0]
    flat = hidden_states.reshape(T, D)
    BT, BTS = _BT, _BTS
    TK = 2 * T
    NT = TK // BTS + E
    P = NT * BTS

    NC, NS = 2, 16
    NW = NC * NS
    mesh = plsc.VectorSubcoreMesh(core_axis_name="c", subcore_axis_name="s",
                                  num_cores=NC, num_subcores=NS)

    logits, pos1o, pos2o, w1col, w2col, te2d, act2d = pl.pallas_call(
        _router_body,
        out_shape=[
            jax.ShapeDtypeStruct((T, E), jnp.float32),
            jax.ShapeDtypeStruct((T, 1), jnp.int32),
            jax.ShapeDtypeStruct((T, 1), jnp.int32),
            jax.ShapeDtypeStruct((T, 1), jnp.float32),
            jax.ShapeDtypeStruct((T, 1), jnp.float32),
            jax.ShapeDtypeStruct((NT, 1), jnp.int32),
            jax.ShapeDtypeStruct((NT, 1), jnp.int32),
        ],
    )(flat, gate_w)

    pos1 = pos1o.reshape(T)
    pos2 = pos2o.reshape(T)
    te = te2d.reshape(NT)
    act = act2d.reshape(NT)

    TPW = T // NW

    @functools.partial(
        pl.kernel,
        out_type=jax.ShapeDtypeStruct((P, D), jnp.float32),
        mesh=mesh,
        scratch_types=[
            pltpu.VMEM((TPW,), jnp.int32),
            pltpu.VMEM((TPW,), jnp.int32),
            pltpu.VMEM((TPW, D), jnp.float32),
            pltpu.SemaphoreType.DMA,
        ],
    )
    def _sc_dispatch(x_hbm, pos1_hbm, pos2_hbm, xs_hbm, idx1_v, idx2_v,
                     rows_v, sem):
        wid = lax.axis_index("s") * NC + lax.axis_index("c")
        base = wid * TPW
        pltpu.sync_copy(x_hbm.at[pl.ds(base, TPW)], rows_v)
        pltpu.sync_copy(pos1_hbm.at[pl.ds(base, TPW)], idx1_v)
        pltpu.sync_copy(pos2_hbm.at[pl.ds(base, TPW)], idx2_v)
        c1 = pltpu.async_copy(rows_v, xs_hbm.at[idx1_v], sem)
        c2 = pltpu.async_copy(rows_v, xs_hbm.at[idx2_v], sem)
        c1.wait()
        c2.wait()

    xs = _sc_dispatch(flat, pos1, pos2)

    grid_spec = pltpu.PrefetchScalarGridSpec(
        num_scalar_prefetch=2,
        grid=(NT,),
        in_specs=[
            pl.BlockSpec((BTS, D), lambda j, te_r, act_r: (j, 0)),
            pl.BlockSpec((1, I, D), lambda j, te_r, act_r: (te_r[j], 0, 0)),
            pl.BlockSpec((1, I, D), lambda j, te_r, act_r: (te_r[j], 0, 0)),
            pl.BlockSpec((1, D, I), lambda j, te_r, act_r: (te_r[j], 0, 0)),
        ],
        out_specs=pl.BlockSpec((BTS, D), lambda j, te_r, act_r: (j, 0)),
    )
    ysw = pl.pallas_call(
        _ffn_body,
        grid_spec=grid_spec,
        out_shape=jax.ShapeDtypeStruct((P, D), jnp.float32),
        compiler_params=pltpu.CompilerParams(
            dimension_semantics=("arbitrary",)),
    )(te, act, xs, expert_gate, expert_up, expert_down)

    CH2 = TPW // 2

    @functools.partial(
        pl.kernel,
        out_type=[
            jax.ShapeDtypeStruct((T, D), jnp.float32),
            jax.ShapeDtypeStruct((T, D), jnp.float32),
        ],
        mesh=mesh,
        scratch_types=[
            pltpu.VMEM((CH2,), jnp.int32),
            pltpu.VMEM((CH2, D), jnp.float32),
            pltpu.SemaphoreType.DMA,
        ],
    )
    def _sc_combine(ysw_hbm, pos1_hbm, pos2_hbm, moe1_hbm, moe2_hbm,
                    idx_v, rows_v, sem):
        wid = lax.axis_index("s") * NC + lax.axis_index("c")
        base = wid * TPW

        def body(c, carry):
            o = base + c * CH2
            pltpu.sync_copy(pos1_hbm.at[pl.ds(o, CH2)], idx_v)
            pltpu.async_copy(ysw_hbm.at[idx_v], rows_v, sem).wait()
            pltpu.sync_copy(rows_v, moe1_hbm.at[pl.ds(o, CH2)])
            pltpu.sync_copy(pos2_hbm.at[pl.ds(o, CH2)], idx_v)
            pltpu.async_copy(ysw_hbm.at[idx_v], rows_v, sem).wait()
            pltpu.sync_copy(rows_v, moe2_hbm.at[pl.ds(o, CH2)])
            return carry

        lax.fori_loop(0, TPW // CH2, body, 0)

    moe1, moe2 = _sc_combine(ysw, pos1, pos2)

    ysh = pl.pallas_call(
        _shared_body,
        grid=(T // BT,),
        in_specs=[
            pl.BlockSpec((BT, D), lambda j: (j, 0)),
            pl.BlockSpec((SH, D), lambda j: (0, 0)),
            pl.BlockSpec((SH, D), lambda j: (0, 0)),
            pl.BlockSpec((D, SH), lambda j: (0, 0)),
        ],
        out_specs=pl.BlockSpec((BT, D), lambda j: (j, 0)),
        out_shape=jax.ShapeDtypeStruct((T, D), jnp.float32),
        compiler_params=pltpu.CompilerParams(
            dimension_semantics=("parallel",)),
    )(flat, shared_gate_w, shared_up_w, shared_down_w)

    out = pl.pallas_call(
        _final_add_body,
        grid=(T // BT,),
        in_specs=[
            pl.BlockSpec((BT, D), lambda j: (j, 0)),
            pl.BlockSpec((BT, D), lambda j: (j, 0)),
            pl.BlockSpec((BT, D), lambda j: (j, 0)),
            pl.BlockSpec((BT, 1), lambda j: (j, 0)),
            pl.BlockSpec((BT, 1), lambda j: (j, 0)),
        ],
        out_specs=pl.BlockSpec((BT, D), lambda j: (j, 0)),
        out_shape=jax.ShapeDtypeStruct((T, D), jnp.float32),
        compiler_params=pltpu.CompilerParams(
            dimension_semantics=("parallel",)),
    )(ysh, moe1, moe2, w1col, w2col)

    return out.reshape(bsz, seq, dim), logits

# --- scband reference (transcript-rebuilt; emitter-appended) ---
"""Pipeline reference for scband-reference-mo-eblock-37933151158594 (READ-ONLY COPY).

The authoritative reference and input builder live on the scoring server;
editing this copy changes nothing except your own understanding.
"""

import jax, jax.numpy as jnp
import numpy as np

B = 1
S = 2048
HIDDEN = 1024
INTER = 1024
E = 8
TOP_K = 2
N_GROUP = 4
TOPK_GROUP = 2
SH_INTER = 1024


def setup_inputs(seed: int = 0) -> dict:
    key = jax.random.key(seed)
    ks = jax.random.split(key, 8)
    hidden_states = jax.random.normal(ks[0], (B, S, HIDDEN), dtype=jnp.float32)
    gate_w = jax.random.normal(ks[1], (E, HIDDEN), dtype=jnp.float32) * 0.02
    expert_gate = jax.random.normal(ks[2], (E, INTER, HIDDEN), dtype=jnp.float32) * 0.02
    expert_up = jax.random.normal(ks[3], (E, INTER, HIDDEN), dtype=jnp.float32) * 0.02
    expert_down = jax.random.normal(ks[4], (E, HIDDEN, INTER), dtype=jnp.float32) * 0.02
    shared_gate_w = jax.random.normal(ks[5], (SH_INTER, HIDDEN), dtype=jnp.float32) * 0.02
    shared_up_w = jax.random.normal(ks[6], (SH_INTER, HIDDEN), dtype=jnp.float32) * 0.02
    shared_down_w = jax.random.normal(ks[7], (HIDDEN, SH_INTER), dtype=jnp.float32) * 0.02
    return {
        'hidden_states': hidden_states,
        'gate_w': gate_w,
        'expert_gate': expert_gate,
        'expert_up': expert_up,
        'expert_down': expert_down,
        'shared_gate_w': shared_gate_w,
        'shared_up_w': shared_up_w,
        'shared_down_w': shared_down_w,
    }


def _silu(x):
    return x * jax.nn.sigmoid(x)


def _group_topk(scores):
    T = scores.shape[0]
    epg = E // N_GROUP
    grouped = scores.reshape(T, N_GROUP, epg)
    group_scores = grouped.sum(axis=-1)
    _, top_groups = jax.lax.top_k(group_scores, TOPK_GROUP)
    group_mask = jnp.zeros((T, N_GROUP), dtype=scores.dtype)
    group_mask = group_mask.at[jnp.arange(T)[:, None], top_groups].set(1.0)
    expert_mask = jnp.repeat(group_mask, epg, axis=1)
    masked_scores = scores * expert_mask
    topk_weights, topk_indices = jax.lax.top_k(masked_scores, TOP_K)
    return topk_weights, topk_indices


def reference(hidden_states, gate_w, expert_gate, expert_up, expert_down, shared_gate_w, shared_up_w, shared_down_w):
    bsz, seq_len, dim = hidden_states.shape
    flat = hidden_states.reshape(-1, dim)
    T = flat.shape[0]
    logits = flat @ gate_w.T
    scores = jax.nn.sigmoid(logits)
    topk_weights, topk_indices = _group_topk(scores)
    denom = jnp.clip(topk_weights.sum(axis=-1, keepdims=True), 1e-12, None)
    topk_weights = topk_weights / denom
    # combine weights per (token, expert); zero for unselected experts -> equivalent
    # to the masked per-expert accumulation loop in the torch reference
    combine = jnp.zeros((T, E), dtype=flat.dtype)
    combine = combine.at[jnp.arange(T)[:, None], topk_indices].add(topk_weights)
    gate_out = jnp.einsum('td,eid->tei', flat, expert_gate)
    up_out = jnp.einsum('td,eid->tei', flat, expert_up)
    h = _silu(gate_out) * up_out
    expert_out = jnp.einsum('tei,edi->ted', h, expert_down)
    output = jnp.einsum('te,ted->td', combine, expert_out)
    shared = (_silu(flat @ shared_gate_w.T) * (flat @ shared_up_w.T)) @ shared_down_w.T
    output = output + shared
    return output.reshape(bsz, seq_len, dim), logits

if __name__ == "__main__":
    import jax
    _d = setup_inputs()
    print(jax.jit(kernel)(*tuple(_d.values())))

</pallas_src>

<mosaic_0001>
#map = affine_map<(d0, d1) -> (0, 0)>
#map1 = affine_map<(d0, d1) -> (0)>
module attributes {stable_mosaic.version = 14 : i64} {
  func.func @_sc_dispatch(%arg0: i32, %arg1: i32, %arg2: memref<2048x1024xf32, #tpu.memory_space<hbm>>, %arg3: memref<2048xi32, #tpu.memory_space<hbm>>, %arg4: memref<2048xi32, #tpu.memory_space<hbm>>, %arg5: memref<6144x1024xf32, #tpu.memory_space<hbm>>, %arg6: memref<64xi32, #tpu.memory_space<vmem>>, %arg7: memref<64xi32, #tpu.memory_space<vmem>>, %arg8: memref<64x1024xf32, #tpu.memory_space<vmem>>, %arg9: memref<!tpu.dma_semaphore, #tpu.memory_space<semaphore_mem>>) attributes {dimension_semantics = [#tpu.dimension_semantics<core_parallel>, #tpu.dimension_semantics<subcore_parallel>], iteration_bounds = array<i64: 2, 16>, scalar_prefetch = 0 : i64, scratch_operands = 4 : i64, tpu.core_type = #tpu.core_type<sc_vector_subcore>, window_params = [{transform_indices = #map}, {transform_indices = #map1}, {transform_indices = #map1}, {transform_indices = #map}]} {
    %mul3A = arith.constant 2 : i32
    %mul3A_0 = arith.muli %arg1, %mul3A : i32
    %add3A = arith.addi %mul3A_0, %arg0 : i32
    %mul3A_1 = arith.constant 64 : i32
    %mul3A_2 = arith.muli %add3A, %mul3A_1 : i32
    "tpu.region"() ({
      %run_scoped3A = tpu.sem_alloc : memref<!tpu.dma_semaphore, #tpu.memory_space<semaphore_mem>>
      %dma_start3A_13 = arith.constant 0 : i32
      %dma_start3A_14 = tpu.memref_slice %arg2[%mul3A_2, %dma_start3A_13] : memref<2048x1024xf32, #tpu.memory_space<hbm>> -> memref<64x1024xf32, #tpu.memory_space<hbm>>
      %dma_start3A_15 = arith.constant 0 : i32
      %dma_start3A_16 = tpu.memref_slice %arg2[%mul3A_2, %dma_start3A_15] : memref<2048x1024xf32, #tpu.memory_space<hbm>> -> memref<64x1024xf32, #tpu.memory_space<hbm>>
      tpu.enqueue_dma source(%dma_start3A_16 : memref<64x1024xf32, #tpu.memory_space<hbm>>) target(%arg8 : memref<64x1024xf32, #tpu.memory_space<vmem>>) target_semaphore(%run_scoped3A : memref<!tpu.dma_semaphore, #tpu.memory_space<semaphore_mem>>)
      %dma_wait3A_17 = arith.constant 0 : i32
      %dma_wait3A_18 = tpu.memref_slice %arg2[%mul3A_2, %dma_wait3A_17] : memref<2048x1024xf32, #tpu.memory_space<hbm>> -> memref<64x1024xf32, #tpu.memory_space<hbm>>
      %dma_wait3A_19 = arith.constant 0 : i32
      %dma_wait3A_20 = tpu.memref_slice %arg2[%mul3A_2, %dma_wait3A_19] : memref<2048x1024xf32, #tpu.memory_space<hbm>> -> memref<64x1024xf32, #tpu.memory_space<hbm>>
      tpu.wait_dma2 semaphore(%run_scoped3A : memref<!tpu.dma_semaphore, #tpu.memory_space<semaphore_mem>>) src(%dma_wait3A_20 : memref<64x1024xf32, #tpu.memory_space<hbm>>) dst(%arg8 : memref<64x1024xf32, #tpu.memory_space<vmem>>)
      tpu.yield
    }) : () -> ()
    "tpu.region"() ({
      %run_scoped3A = tpu.sem_alloc : memref<!tpu.dma_semaphore, #tpu.memory_space<semaphore_mem>>
      %dma_start3A_13 = tpu.memref_slice %arg3[%mul3A_2] : memref<2048xi32, #tpu.memory_space<hbm>> -> memref<64xi32, #tpu.memory_space<hbm>>
      %dma_start3A_14 = tpu.memref_slice %arg3[%mul3A_2] : memref<2048xi32, #tpu.memory_space<hbm>> -> memref<64xi32, #tpu.memory_space<hbm>>
      tpu.enqueue_dma source(%dma_start3A_14 : memref<64xi32, #tpu.memory_space<hbm>>) target(%arg6 : memref<64xi32, #tpu.memory_space<vmem>>) target_semaphore(%run_scoped3A : memref<!tpu.dma_semaphore, #tpu.memory_space<semaphore_mem>>)
      %dma_wait3A_15 = tpu.memref_slice %arg3[%mul3A_2] : memref<2048xi32, #tpu.memory_space<hbm>> -> memref<64xi32, #tpu.memory_space<hbm>>
      %dma_wait3A_16 = tpu.memref_slice %arg3[%mul3A_2] : memref<2048xi32, #tpu.memory_space<hbm>> -> memref<64xi32, #tpu.memory_space<hbm>>
      tpu.wait_dma2 semaphore(%run_scoped3A : memref<!tpu.dma_semaphore, #tpu.memory_space<semaphore_mem>>) src(%dma_wait3A_16 : memref<64xi32, #tpu.memory_space<hbm>>) dst(%arg6 : memref<64xi32, #tpu.memory_space<vmem>>)
      tpu.yield
    }) : () -> ()
    "tpu.region"() ({
      %run_scoped3A = tpu.sem_alloc : memref<!tpu.dma_semaphore, #tpu.memory_space<semaphore_mem>>
      %dma_start3A_13 = tpu.memref_slice %arg4[%mul3A_2] : memref<2048xi32, #tpu.memory_space<hbm>> -> memref<64xi32, #tpu.memory_space<hbm>>
      %dma_start3A_14 = tpu.memref_slice %arg4[%mul3A_2] : memref<2048xi32, #tpu.memory_space<hbm>> -> memref<64xi32, #tpu.memory_space<hbm>>
      tpu.enqueue_dma source(%dma_start3A_14 : memref<64xi32, #tpu.memory_space<hbm>>) target(%arg7 : memref<64xi32, #tpu.memory_space<vmem>>) target_semaphore(%run_scoped3A : memref<!tpu.dma_semaphore, #tpu.memory_space<semaphore_mem>>)
      %dma_wait3A_15 = tpu.memref_slice %arg4[%mul3A_2] : memref<2048xi32, #tpu.memory_space<hbm>> -> memref<64xi32, #tpu.memory_space<hbm>>
      %dma_wait3A_16 = tpu.memref_slice %arg4[%mul3A_2] : memref<2048xi32, #tpu.memory_space<hbm>> -> memref<64xi32, #tpu.memory_space<hbm>>
      tpu.wait_dma2 semaphore(%run_scoped3A : memref<!tpu.dma_semaphore, #tpu.memory_space<semaphore_mem>>) src(%dma_wait3A_16 : memref<64xi32, #tpu.memory_space<hbm>>) dst(%arg7 : memref<64xi32, #tpu.memory_space<vmem>>)
      tpu.yield
    }) : () -> ()
    %dma_start3A = arith.constant 0 : i32
    %dma_start3A_3 = arith.constant 0 : i32
    %dma_start3A_4 = tpu.memref_slice %arg5[%dma_start3A, %dma_start3A_3] : memref<6144x1024xf32, #tpu.memory_space<hbm>> -> memref<6144x1024xf32, #tpu.memory_space<hbm>>
    tpu.enqueue_indirect_dma source(%arg8 : memref<64x1024xf32, #tpu.memory_space<vmem>>) target(%dma_start3A_4 : memref<6144x1024xf32, #tpu.memory_space<hbm>>) offsets(%arg6 : memref<64xi32, #tpu.memory_space<vmem>>) semaphore(%arg9 : memref<!tpu.dma_semaphore, #tpu.memory_space<semaphore_mem>>)
    %dma_start3A_5 = arith.constant 0 : i32
    %dma_start3A_6 = arith.constant 0 : i32
    %dma_start3A_7 = tpu.memref_slice %arg5[%dma_start3A_5, %dma_start3A_6] : memref<6144x1024xf32, #tpu.memory_space<hbm>> -> memref<6144x1024xf32, #tpu.memory_space<hbm>>
    tpu.enqueue_indirect_dma source(%arg8 : memref<64x1024xf32, #tpu.memory_space<vmem>>) target(%dma_start3A_7 : memref<6144x1024xf32, #tpu.memory_space<hbm>>) offsets(%arg7 : memref<64xi32, #tpu.memory_space<vmem>>) semaphore(%arg9 : memref<!tpu.dma_semaphore, #tpu.memory_space<semaphore_mem>>)
    %dma_wait3A = arith.constant 0 : i32
    %dma_wait3A_8 = arith.constant 0 : i32
    %dma_wait3A_9 = tpu.memref_slice %arg5[%dma_wait3A, %dma_wait3A_8] : memref<6144x1024xf32, #tpu.memory_space<hbm>> -> memref<6144x1024xf32, #tpu.memory_space<hbm>>
    tpu.wait_indirect_dma semaphore(%arg9 : memref<!tpu.dma_semaphore, #tpu.memory_space<semaphore_mem>>) src(%arg8 : memref<64x1024xf32, #tpu.memory_space<vmem>>) dst(%dma_wait3A_9 : memref<6144x1024xf32, #tpu.memory_space<hbm>>)
    %dma_wait3A_10 = arith.constant 0 : i32
    %dma_wait3A_11 = arith.constant 0 : i32
    %dma_wait3A_12 = tpu.memref_slice %arg5[%dma_wait3A_10, %dma_wait3A_11] : memref<6144x1024xf32, #tpu.memory_space<hbm>> -> memref<6144x1024xf32, #tpu.memory_space<hbm>>
    tpu.wait_indirect_dma semaphore(%arg9 : memref<!tpu.dma_semaphore, #tpu.memory_space<semaphore_mem>>) src(%arg8 : memref<64x1024xf32, #tpu.memory_space<vmem>>) dst(%dma_wait3A_12 : memref<6144x1024xf32, #tpu.memory_space<hbm>>)
    return
  }
}

#map = affine_map<(d0, d1) -> (0, 0)>
#map1 = affine_map<(d0, d1) -> (0)>
module attributes {stable_mosaic.version = 14 : i64} {
  func.func @_sc_combine(%arg0: i32, %arg1: i32, %arg2: memref<6144x1024xf32, #tpu.memory_space<hbm>>, %arg3: memref<2048xi32, #tpu.memory_space<hbm>>, %arg4: memref<2048xi32, #tpu.memory_space<hbm>>, %arg5: memref<2048x1024xf32, #tpu.memory_space<hbm>>, %arg6: memref<2048x1024xf32, #tpu.memory_space<hbm>>, %arg7: memref<32xi32, #tpu.memory_space<vmem>>, %arg8: memref<32x1024xf32, #tpu.memory_space<vmem>>, %arg9: memref<!tpu.dma_semaphore, #tpu.memory_space<semaphore_mem>>) attributes {dimension_semantics = [#tpu.dimension_semantics<core_parallel>, #tpu.dimension_semantics<subcore_parallel>], iteration_bounds = array<i64: 2, 16>, scalar_prefetch = 0 : i64, scratch_operands = 3 : i64, tpu.core_type = #tpu.core_type<sc_vector_subcore>, window_params = [{transform_indices = #map}, {transform_indices = #map1}, {transform_indices = #map1}, {transform_indices = #map}, {transform_indices = #map}]} {
    %mul3A = arith.constant 2 : i32
    %mul3A_0 = arith.muli %arg1, %mul3A : i32
    %add3A = arith.addi %mul3A_0, %arg0 : i32
    %mul3A_1 = arith.constant 64 : i32
    %mul3A_2 = arith.muli %add3A, %mul3A_1 : i32
    %scan3A = arith.constant 0 : i32
    %scan3A_3 = arith.constant 0 : i32
    %scan3A_4 = arith.constant 2 : i32
    %scan3A_5 = arith.addi %scan3A_3, %scan3A_4 : i32
    %scan3A_6 = arith.constant 1 : i32
    scf.for %scan3A_8 = %scan3A_3 to %scan3A_5 step %scan3A_6  : i32 {
      %mul3A_9 = arith.constant 32 : i32
      %mul3A_10 = arith.muli %scan3A_8, %mul3A_9 : i32
      %add3A_11 = arith.addi %mul3A_2, %mul3A_10 : i32
      "tpu.region"() ({
        %run_scoped3A = tpu.sem_alloc : memref<!tpu.dma_semaphore, #tpu.memory_space<semaphore_mem>>
        %dma_start3A_22 = tpu.memref_slice %arg3[%add3A_11] : memref<2048xi32, #tpu.memory_space<hbm>> -> memref<32xi32, #tpu.memory_space<hbm>>
        %dma_start3A_23 = tpu.memref_slice %arg3[%add3A_11] : memref<2048xi32, #tpu.memory_space<hbm>> -> memref<32xi32, #tpu.memory_space<hbm>>
        tpu.enqueue_dma source(%dma_start3A_23 : memref<32xi32, #tpu.memory_space<hbm>>) target(%arg7 : memref<32xi32, #tpu.memory_space<vmem>>) target_semaphore(%run_scoped3A : memref<!tpu.dma_semaphore, #tpu.memory_space<semaphore_mem>>)
        %dma_wait3A_24 = tpu.memref_slice %arg3[%add3A_11] : memref<2048xi32, #tpu.memory_space<hbm>> -> memref<32xi32, #tpu.memory_space<hbm>>
        %dma_wait3A_25 = tpu.memref_slice %arg3[%add3A_11] : memref<2048xi32, #tpu.memory_space<hbm>> -> memref<32xi32, #tpu.memory_space<hbm>>
        tpu.wait_dma2 semaphore(%run_scoped3A : memref<!tpu.dma_semaphore, #tpu.memory_space<semaphore_mem>>) src(%dma_wait3A_25 : memref<32xi32, #tpu.memory_space<hbm>>) dst(%arg7 : memref<32xi32, #tpu.memory_space<vmem>>)
        tpu.yield
      }) : () -> ()
      %dma_start3A = arith.constant 0 : i32
      %dma_start3A_12 = arith.constant 0 : i32
      %dma_start3A_13 = tpu.memref_slice %arg2[%dma_start3A, %dma_start3A_12] : memref<6144x1024xf32, #tpu.memory_space<hbm>> -> memref<6144x1024xf32, #tpu.memory_space<hbm>>
      tpu.enqueue_indirect_dma source(%dma_start3A_13 : memref<6144x1024xf32, #tpu.memory_space<hbm>>) target(%arg8 : memref<32x1024xf32, #tpu.memory_space<vmem>>) offsets(%arg7 : memref<32xi32, #tpu.memory_space<vmem>>) semaphore(%arg9 : memref<!tpu.dma_semaphore, #tpu.memory_space<semaphore_mem>>)
      %dma_wait3A = arith.constant 0 : i32
      %dma_wait3A_14 = arith.constant 0 : i32
      %dma_wait3A_15 = tpu.memref_slice %arg2[%dma_wait3A, %dma_wait3A_14] : memref<6144x1024xf32, #tpu.memory_space<hbm>> -> memref<6144x1024xf32, #tpu.memory_space<hbm>>
      tpu.wait_indirect_dma semaphore(%arg9 : memref<!tpu.dma_semaphore, #tpu.memory_space<semaphore_mem>>) src(%dma_wait3A_15 : memref<6144x1024xf32, #tpu.memory_space<hbm>>) dst(%arg8 : memref<32x1024xf32, #tpu.memory_space<vmem>>)
      "tpu.region"() ({
        %run_scoped3A = tpu.sem_alloc : memref<!tpu.dma_semaphore, #tpu.memory_space<semaphore_mem>>
        %dma_start3A_22 = arith.constant 0 : i32
        %dma_start3A_23 = tpu.memref_slice %arg5[%add3A_11, %dma_start3A_22] : memref<2048x1024xf32, #tpu.memory_space<hbm>> -> memref<32x1024xf32, #tpu.memory_space<hbm>>
        %dma_start3A_24 = arith.constant 0 : i32
        %dma_start3A_25 = tpu.memref_slice %arg5[%add3A_11, %dma_start3A_24] : memref<2048x1024xf32, #tpu.memory_space<hbm>> -> memref<32x1024xf32, #tpu.memory_space<hbm>>
        tpu.enqueue_dma source(%arg8 : memref<32x1024xf32, #tpu.memory_space<vmem>>) target(%dma_start3A_25 : memref<32x1024xf32, #tpu.memory_space<hbm>>) target_semaphore(%run_scoped3A : memref<!tpu.dma_semaphore, #tpu.memory_space<semaphore_mem>>)
        %dma_wait3A_26 = arith.constant 0 : i32
        %dma_wait3A_27 = tpu.memref_slice %arg5[%add3A_11, %dma_wait3A_26] : memref<2048x1024xf32, #tpu.memory_space<hbm>> -> memref<32x1024xf32, #tpu.memory_space<hbm>>
        %dma_wait3A_28 = arith.constant 0 : i32
        %dma_wait3A_29 = tpu.memref_slice %arg5[%add3A_11, %dma_wait3A_28] : memref<2048x1024xf32, #tpu.memory_space<hbm>> -> memref<32x1024xf32, #tpu.memory_space<hbm>>
        tpu.wait_dma2 semaphore(%run_scoped3A : memref<!tpu.dma_semaphore, #tpu.memory_space<semaphore_mem>>) src(%arg8 : memref<32x1024xf32, #tpu.memory_space<vmem>>) dst(%dma_wait3A_29 : memref<32x1024xf32, #tpu.memory_space<hbm>>)
        tpu.yield
      }) : () -> ()
      "tpu.region"() ({
        %run_scoped3A = tpu.sem_alloc : memref<!tpu.dma_semaphore, #tpu.memory_space<semaphore_mem>>
        %dma_start3A_22 = tpu.memref_slice %arg4[%add3A_11] : memref<2048xi32, #tpu.memory_space<hbm>> -> memref<32xi32, #tpu.memory_space<hbm>>
        %dma_start3A_23 = tpu.memref_slice %arg4[%add3A_11] : memref<2048xi32, #tpu.memory_space<hbm>> -> memref<32xi32, #tpu.memory_space<hbm>>
        tpu.enqueue_dma source(%dma_start3A_23 : memref<32xi32, #tpu.memory_space<hbm>>) target(%arg7 : memref<32xi32, #tpu.memory_space<vmem>>) target_semaphore(%run_scoped3A : memref<!tpu.dma_semaphore, #tpu.memory_space<semaphore_mem>>)
        %dma_wait3A_24 = tpu.memref_slice %arg4[%add3A_11] : memref<2048xi32, #tpu.memory_space<hbm>> -> memref<32xi32, #tpu.memory_space<hbm>>
        %dma_wait3A_25 = tpu.memref_slice %arg4[%add3A_11] : memref<2048xi32, #tpu.memory_space<hbm>> -> memref<32xi32, #tpu.memory_space<hbm>>
        tpu.wait_dma2 semaphore(%run_scoped3A : memref<!tpu.dma_semaphore, #tpu.memory_space<semaphore_mem>>) src(%dma_wait3A_25 : memref<32xi32, #tpu.memory_space<hbm>>) dst(%arg7 : memref<32xi32, #tpu.memory_space<vmem>>)
        tpu.yield
      }) : () -> ()
      %dma_start3A_16 = arith.constant 0 : i32
      %dma_start3A_17 = arith.constant 0 : i32
      %dma_start3A_18 = tpu.memref_slice %arg2[%dma_start3A_16, %dma_start3A_17] : memref<6144x1024xf32, #tpu.memory_space<hbm>> -> memref<6144x1024xf32, #tpu.memory_space<hbm>>
      tpu.enqueue_indirect_dma source(%dma_start3A_18 : memref<6144x1024xf32, #tpu.memory_space<hbm>>) target(%arg8 : memref<32x1024xf32, #tpu.memory_space<vmem>>) offsets(%arg7 : memref<32xi32, #tpu.memory_space<vmem>>) semaphore(%arg9 : memref<!tpu.dma_semaphore, #tpu.memory_space<semaphore_mem>>)
      %dma_wait3A_19 = arith.constant 0 : i32
      %dma_wait3A_20 = arith.constant 0 : i32
      %dma_wait3A_21 = tpu.memref_slice %arg2[%dma_wait3A_19, %dma_wait3A_20] : memref<6144x1024xf32, #tpu.memory_space<hbm>> -> memref<6144x1024xf32, #tpu.memory_space<hbm>>
      tpu.wait_indirect_dma semaphore(%arg9 : memref<!tpu.dma_semaphore, #tpu.memory_space<semaphore_mem>>) src(%dma_wait3A_21 : memref<6144x1024xf32, #tpu.memory_space<hbm>>) dst(%arg8 : memref<32x1024xf32, #tpu.memory_space<vmem>>)
      "tpu.region"() ({
        %run_scoped3A = tpu.sem_alloc : memref<!tpu.dma_semaphore, #tpu.memory_space<semaphore_mem>>
        %dma_start3A_22 = arith.constant 0 : i32
        %dma_start3A_23 = tpu.memref_slice %arg6[%add3A_11, %dma_start3A_22] : memref<2048x1024xf32, #tpu.memory_space<hbm>> -> memref<32x1024xf32, #tpu.memory_space<hbm>>
        %dma_start3A_24 = arith.constant 0 : i32
        %dma_start3A_25 = tpu.memref_slice %arg6[%add3A_11, %dma_start3A_24] : memref<2048x1024xf32, #tpu.memory_space<hbm>> -> memref<32x1024xf32, #tpu.memory_space<hbm>>
        tpu.enqueue_dma source(%arg8 : memref<32x1024xf32, #tpu.memory_space<vmem>>) target(%dma_start3A_25 : memref<32x1024xf32, #tpu.memory_space<hbm>>) target_semaphore(%run_scoped3A : memref<!tpu.dma_semaphore, #tpu.memory_space<semaphore_mem>>)
        %dma_wait3A_26 = arith.constant 0 : i32
        %dma_wait3A_27 = tpu.memref_slice %arg6[%add3A_11, %dma_wait3A_26] : memref<2048x1024xf32, #tpu.memory_space<hbm>> -> memref<32x1024xf32, #tpu.memory_space<hbm>>
        %dma_wait3A_28 = arith.constant 0 : i32
        %dma_wait3A_29 = tpu.memref_slice %arg6[%add3A_11, %dma_wait3A_28] : memref<2048x1024xf32, #tpu.memory_space<hbm>> -> memref<32x1024xf32, #tpu.memory_space<hbm>>
        tpu.wait_dma2 semaphore(%run_scoped3A : memref<!tpu.dma_semaphore, #tpu.memory_space<semaphore_mem>>) src(%arg8 : memref<32x1024xf32, #tpu.memory_space<vmem>>) dst(%dma_wait3A_29 : memref<32x1024xf32, #tpu.memory_space<hbm>>)
        tpu.yield
      }) : () -> ()
    }
    %scan3A_7 = arith.constant 2 : i32
    return
  }
}

module attributes {stable_mosaic.version = 14 : i64} {
  func.func @_shared_body(%arg0: i32, %arg1: memref<256x1024xf32, #tpu.memory_space<vmem>>, %arg2: memref<1024x1024xf32, #tpu.memory_space<vmem>>, %arg3: memref<1024x1024xf32, #tpu.memory_space<vmem>>, %arg4: memref<1024x1024xf32, #tpu.memory_space<vmem>>, %arg5: memref<256x1024xf32, #tpu.memory_space<vmem>>) attributes {dimension_semantics = [#tpu.dimension_semantics<parallel>], iteration_bounds = array<i64: 8>, scalar_prefetch = 0 : i64, scratch_operands = 0 : i64, tpu.core_type = #tpu.core_type<tc>, window_params = [{transform_indices = @transform_0, window_bounds = array<i64: 256, 1024>}, {pipeline_mode = #tpu.pipeline_mode<synchronous>, transform_indices = @transform_1, window_bounds = array<i64: 1024, 1024>}, {pipeline_mode = #tpu.pipeline_mode<synchronous>, transform_indices = @transform_2, window_bounds = array<i64: 1024, 1024>}, {pipeline_mode = #tpu.pipeline_mode<synchronous>, transform_indices = @transform_3, window_bounds = array<i64: 1024, 1024>}, {transform_indices = @transform_4, window_bounds = array<i64: 256, 1024>}]} {
    %get3A = arith.constant 0 : index
    %get3A_0 = arith.constant 0 : index
    %get3A_1 = vector.load %arg1[%get3A, %get3A_0] : memref<256x1024xf32, #tpu.memory_space<vmem>>, vector<256x1024xf32>
    %get3A_2 = arith.constant 0 : index
    %get3A_3 = arith.constant 0 : index
    %get3A_4 = vector.load %arg2[%get3A_2, %get3A_3] : memref<1024x1024xf32, #tpu.memory_space<vmem>>, vector<1024x1024xf32>
    %dot_general3A = arith.constant dense<0.000000e+00> : vector<256x1024xf32>
    %dot_general3A_5 = tpu.matmul %get3A_1, %get3A_4, %dot_general3A {dimension_numbers = #tpu.dot_dimension_numbers<[1], [1], [0], [0], [0, 0, 1, 0], [], []>, transpose_lhs_hint = false} : vector<256x1024xf32>, vector<1024x1024xf32>, vector<256x1024xf32> -> vector<256x1024xf32>
    %get3A_6 = arith.constant 0 : index
    %get3A_7 = arith.constant 0 : index
    %get3A_8 = vector.load %arg3[%get3A_6, %get3A_7] : memref<1024x1024xf32, #tpu.memory_space<vmem>>, vector<1024x1024xf32>
    %dot_general3A_9 = arith.constant dense<0.000000e+00> : vector<256x1024xf32>
    %dot_general3A_10 = tpu.matmul %get3A_1, %get3A_8, %dot_general3A_9 {dimension_numbers = #tpu.dot_dimension_numbers<[1], [1], [0], [0], [0, 0, 1, 0], [], []>, transpose_lhs_hint = false} : vector<256x1024xf32>, vector<1024x1024xf32>, vector<256x1024xf32> -> vector<256x1024xf32>
    %logistic3A = arith.negf %dot_general3A_5 : vector<256x1024xf32>
    %logistic3A_11 = math.exp %logistic3A : vector<256x1024xf32>
    %logistic3A_12 = arith.constant 1.000000e+00 : f32
    %logistic3A_13 = vector.broadcast %logistic3A_12 : f32 to vector<256x1024xf32>
    %logistic3A_14 = arith.addf %logistic3A_13, %logistic3A_11 : vector<256x1024xf32>
    %logistic3A_15 = arith.divf %logistic3A_13, %logistic3A_14 : vector<256x1024xf32>
    %mul3A = arith.mulf %dot_general3A_5, %logistic3A_15 : vector<256x1024xf32>
    %mul3A_16 = arith.mulf %mul3A, %dot_general3A_10 : vector<256x1024xf32>
    %get3A_17 = arith.constant 0 : index
    %get3A_18 = arith.constant 0 : index
    %get3A_19 = vector.load %arg4[%get3A_17, %get3A_18] : memref<1024x1024xf32, #tpu.memory_space<vmem>>, vector<1024x1024xf32>
    %dot_general3A_20 = arith.constant dense<0.000000e+00> : vector<256x1024xf32>
    %dot_general3A_21 = tpu.matmul %mul3A_16, %get3A_19, %dot_general3A_20 {dimension_numbers = #tpu.dot_dimension_numbers<[1], [1], [0], [0], [0, 0, 1, 0], [], []>, transpose_lhs_hint = false} : vector<256x1024xf32>, vector<1024x1024xf32>, vector<256x1024xf32> -> vector<256x1024xf32>
    %swap3A = arith.constant 0 : index
    %swap3A_22 = arith.constant 0 : index
    %swap3A_23 = vector.load %arg5[%swap3A, %swap3A_22] : memref<256x1024xf32, #tpu.memory_space<vmem>>, vector<256x1024xf32>
    tpu.vector_store %arg5[%swap3A, %swap3A_22], %dot_general3A_21 {strides = array<i32>} : memref<256x1024xf32, #tpu.memory_space<vmem>>, vector<256x1024xf32>,
    return
  }
  func.func @transform_0(%arg0: i32) -> (i32, i32) {
    %c0_i32 = arith.constant 0 : i32
    %c0_i32_0 = arith.constant 0 : i32
    return %arg0, %c0_i32 : i32, i32
  }
  func.func @transform_1(%arg0: i32) -> (i32, i32) {
    %c0_i32 = arith.constant 0 : i32
    %c0_i32_0 = arith.constant 0 : i32
    %c0_i32_1 = arith.constant 0 : i32
    return %c0_i32, %c0_i32_0 : i32, i32
  }
  func.func @transform_2(%arg0: i32) -> (i32, i32) {
    %c0_i32 = arith.constant 0 : i32
    %c0_i32_0 = arith.constant 0 : i32
    %c0_i32_1 = arith.constant 0 : i32
    return %c0_i32, %c0_i32_0 : i32, i32
  }
  func.func @transform_3(%arg0: i32) -> (i32, i32) {
    %c0_i32 = arith.constant 0 : i32
    %c0_i32_0 = arith.constant 0 : i32
    %c0_i32_1 = arith.constant 0 : i32
    return %c0_i32, %c0_i32_0 : i32, i32
  }
  func.func @transform_4(%arg0: i32) -> (i32, i32) {
    %c0_i32 = arith.constant 0 : i32
    %c0_i32_0 = arith.constant 0 : i32
    return %arg0, %c0_i32 : i32, i32
  }
}

module attributes {stable_mosaic.version = 14 : i64} {
  func.func @_ffn_body(%arg0: i32, %arg1: memref<24xi32, #tpu.memory_space<smem>>, %arg2: memref<24xi32, #tpu.memory_space<smem>>, %arg3: memref<256x1024xf32, #tpu.memory_space<vmem>>, %arg4: memref<1x1024x1024xf32, #tpu.memory_space<vmem>>, %arg5: memref<1x1024x1024xf32, #tpu.memory_space<vmem>>, %arg6: memref<1x1024x1024xf32, #tpu.memory_space<vmem>>, %arg7: memref<256x1024xf32, #tpu.memory_space<vmem>>) attributes {dimension_semantics = [#tpu.dimension_semantics<arbitrary>], iteration_bounds = array<i64: 24>, scalar_prefetch = 2 : i64, scratch_operands = 0 : i64, tpu.core_type = #tpu.core_type<tc>, window_params = [{transform_indices = @transform_0, window_bounds = array<i64: 256, 1024>}, {transform_indices = @transform_1, window_bounds = array<i64: 1, 1024, 1024>}, {transform_indices = @transform_2, window_bounds = array<i64: 1, 1024, 1024>}, {transform_indices = @transform_3, window_bounds = array<i64: 1, 1024, 1024>}, {transform_indices = @transform_4, window_bounds = array<i64: 256, 1024>}]} {
    %get3A = arith.index_cast %arg0 : i32 to index
    %get3A_0 = memref.load %arg2[%get3A] : memref<24xi32, #tpu.memory_space<smem>>
    %eq3A = arith.constant 1 : i32
    %eq3A_1 = arith.cmpi eq, %get3A_0, %eq3A : i32
    %convert_element_type3A = arith.extui %eq3A_1 : i1 to i32
    %cond3A = arith.constant 0 : i32
    %cond3A_2 = arith.cmpi ne, %convert_element_type3A, %cond3A : i32
    scf.if %cond3A_2 {
      %get3A_3 = arith.constant 0 : index
      %get3A_4 = arith.constant 0 : index
      %get3A_5 = vector.load %arg3[%get3A_3, %get3A_4] : memref<256x1024xf32, #tpu.memory_space<vmem>>, vector<256x1024xf32>
      %get3A_6 = arith.constant 0 : index
      %get3A_7 = arith.constant 0 : index
      %get3A_8 = arith.constant 0 : index
      %get3A_9 = vector.load %arg4[%get3A_6, %get3A_7, %get3A_8] : memref<1x1024x1024xf32, #tpu.memory_space<vmem>>, vector<1x1024x1024xf32>
      %get3A_10 = vector.shape_cast %get3A_9 : vector<1x1024x1024xf32> to vector<1024x1024xf32>
      %dot_general3A = arith.constant dense<0.000000e+00> : vector<256x1024xf32>
      %dot_general3A_11 = tpu.matmul %get3A_5, %get3A_10, %dot_general3A {dimension_numbers = #tpu.dot_dimension_numbers<[1], [1], [0], [0], [0, 0, 1, 0], [], []>, transpose_lhs_hint = false} : vector<256x1024xf32>, vector<1024x1024xf32>, vector<256x1024xf32> -> vector<256x1024xf32>
      %get3A_12 = arith.constant 0 : index
      %get3A_13 = arith.constant 0 : index
      %get3A_14 = arith.constant 0 : index
      %get3A_15 = vector.load %arg5[%get3A_12, %get3A_13, %get3A_14] : memref<1x1024x1024xf32, #tpu.memory_space<vmem>>, vector<1x1024x1024xf32>
      %get3A_16 = vector.shape_cast %get3A_15 : vector<1x1024x1024xf32> to vector<1024x1024xf32>
      %dot_general3A_17 = arith.constant dense<0.000000e+00> : vector<256x1024xf32>
      %dot_general3A_18 = tpu.matmul %get3A_5, %get3A_16, %dot_general3A_17 {dimension_numbers = #tpu.dot_dimension_numbers<[1], [1], [0], [0], [0, 0, 1, 0], [], []>, transpose_lhs_hint = false} : vector<256x1024xf32>, vector<1024x1024xf32>, vector<256x1024xf32> -> vector<256x1024xf32>
      %logistic3A = arith.negf %dot_general3A_11 : vector<256x1024xf32>
      %logistic3A_19 = math.exp %logistic3A : vector<256x1024xf32>
      %logistic3A_20 = arith.constant 1.000000e+00 : f32
      %logistic3A_21 = vector.broadcast %logistic3A_20 : f32 to vector<256x1024xf32>
      %logistic3A_22 = arith.addf %logistic3A_21, %logistic3A_19 : vector<256x1024xf32>
      %logistic3A_23 = arith.divf %logistic3A_21, %logistic3A_22 : vector<256x1024xf32>
      %mul3A = arith.mulf %dot_general3A_11, %logistic3A_23 : vector<256x1024xf32>
      %mul3A_24 = arith.mulf %mul3A, %dot_general3A_18 : vector<256x1024xf32>
      %get3A_25 = arith.constant 0 : index
      %get3A_26 = arith.constant 0 : index
      %get3A_27 = arith.constant 0 : index
      %get3A_28 = vector.load %arg6[%get3A_25, %get3A_26, %get3A_27] : memref<1x1024x1024xf32, #tpu.memory_space<vmem>>, vector<1x1024x1024xf32>
      %get3A_29 = vector.shape_cast %get3A_28 : vector<1x1024x1024xf32> to vector<1024x1024xf32>
      %dot_general3A_30 = arith.constant dense<0.000000e+00> : vector<256x1024xf32>
      %dot_general3A_31 = tpu.matmul %mul3A_24, %get3A_29, %dot_general3A_30 {dimension_numbers = #tpu.dot_dimension_numbers<[1], [1], [0], [0], [0, 0, 1, 0], [], []>, transpose_lhs_hint = false} : vector<256x1024xf32>, vector<1024x1024xf32>, vector<256x1024xf32> -> vector<256x1024xf32>
      %swap3A = arith.constant 0 : index
      %swap3A_32 = arith.constant 0 : index
      %swap3A_33 = vector.load %arg7[%swap3A, %swap3A_32] : memref<256x1024xf32, #tpu.memory_space<vmem>>, vector<256x1024xf32>
      tpu.vector_store %arg7[%swap3A, %swap3A_32], %dot_general3A_31 {strides = array<i32>} : memref<256x1024xf32, #tpu.memory_space<vmem>>, vector<256x1024xf32>,
    } else {
    }
    return
  }
  func.func @transform_0(%arg0: i32, %arg1: memref<24xi32, #tpu.memory_space<smem>>, %arg2: memref<24xi32, #tpu.memory_space<smem>>) -> (i32, i32) {
    %c0_i32 = arith.constant 0 : i32
    %c0_i32_0 = arith.constant 0 : i32
    return %arg0, %c0_i32 : i32, i32
  }
  func.func @transform_1(%arg0: i32, %arg1: memref<24xi32, #tpu.memory_space<smem>>, %arg2: memref<24xi32, #tpu.memory_space<smem>>) -> (i32, i32, i32) {
    %get3A = arith.index_cast %arg0 : i32 to index
    %get3A_0 = memref.load %arg1[%get3A] : memref<24xi32, #tpu.memory_space<smem>>
    %c0_i32 = arith.constant 0 : i32
    %c0_i32_1 = arith.constant 0 : i32
    %c0_i32_2 = arith.constant 0 : i32
    return %get3A_0, %c0_i32, %c0_i32_1 : i32, i32, i32
  }
  func.func @transform_2(%arg0: i32, %arg1: memref<24xi32, #tpu.memory_space<smem>>, %arg2: memref<24xi32, #tpu.memory_space<smem>>) -> (i32, i32, i32) {
    %get3A = arith.index_cast %arg0 : i32 to index
    %get3A_0 = memref.load %arg1[%get3A] : memref<24xi32, #tpu.memory_space<smem>>
    %c0_i32 = arith.constant 0 : i32
    %c0_i32_1 = arith.constant 0 : i32
    %c0_i32_2 = arith.constant 0 : i32
    return %get3A_0, %c0_i32, %c0_i32_1 : i32, i32, i32
  }
  func.func @transform_3(%arg0: i32, %arg1: memref<24xi32, #tpu.memory_space<smem>>, %arg2: memref<24xi32, #tpu.memory_space<smem>>) -> (i32, i32, i32) {
    %get3A = arith.index_cast %arg0 : i32 to index
    %get3A_0 = memref.load %arg1[%get3A] : memref<24xi32, #tpu.memory_space<smem>>
    %c0_i32 = arith.constant 0 : i32
    %c0_i32_1 = arith.constant 0 : i32
    %c0_i32_2 = arith.constant 0 : i32
    return %get3A_0, %c0_i32, %c0_i32_1 : i32, i32, i32
  }
  func.func @transform_4(%arg0: i32, %arg1: memref<24xi32, #tpu.memory_space<smem>>, %arg2: memref<24xi32, #tpu.memory_space<smem>>) -> (i32, i32) {
    %c0_i32 = arith.constant 0 : i32
    %c0_i32_0 = arith.constant 0 : i32
    return %arg0, %c0_i32 : i32, i32
  }
}

module attributes {stable_mosaic.version = 14 : i64} {
  func.func @_router_body(%arg0: memref<2048x1024xf32, #tpu.memory_space<vmem>>, %arg1: memref<8x1024xf32, #tpu.memory_space<vmem>>, %arg2: memref<2048x8xf32, #tpu.memory_space<vmem>>, %arg3: memref<2048x1xi32, #tpu.memory_space<vmem>>, %arg4: memref<2048x1xi32, #tpu.memory_space<vmem>>, %arg5: memref<2048x1xf32, #tpu.memory_space<vmem>>, %arg6: memref<2048x1xf32, #tpu.memory_space<vmem>>, %arg7: memref<24x1xi32, #tpu.memory_space<vmem>>, %arg8: memref<24x1xi32, #tpu.memory_space<vmem>>) attributes {dimension_semantics = [], scalar_prefetch = 0 : i64, scratch_operands = 0 : i64, tpu.core_type = #tpu.core_type<tc>} {
    %get3A = arith.constant 0 : index
    %get3A_0 = arith.constant 0 : index
    %get3A_1 = vector.load %arg0[%get3A, %get3A_0] : memref<2048x1024xf32, #tpu.memory_space<vmem>>, vector<2048x1024xf32>
    %get3A_2 = arith.constant 0 : index
    %get3A_3 = arith.constant 0 : index
    %get3A_4 = vector.load %arg1[%get3A_2, %get3A_3] : memref<8x1024xf32, #tpu.memory_space<vmem>>, vector<8x1024xf32>
    %dot_general3A = arith.constant dense<0.000000e+00> : vector<2048x8xf32>
    %dot_general3A_5 = tpu.matmul %get3A_1, %get3A_4, %dot_general3A {dimension_numbers = #tpu.dot_dimension_numbers<[1], [1], [0], [0], [0, 0, 1, 0], [], []>, transpose_lhs_hint = false} : vector<2048x1024xf32>, vector<8x1024xf32>, vector<2048x8xf32> -> vector<2048x8xf32>
    %swap3A = arith.constant 0 : index
    %swap3A_6 = arith.constant 0 : index
    %swap3A_7 = vector.load %arg2[%swap3A, %swap3A_6] : memref<2048x8xf32, #tpu.memory_space<vmem>>, vector<2048x8xf32>
    tpu.vector_store %arg2[%swap3A, %swap3A_6], %dot_general3A_5 {strides = array<i32>} : memref<2048x8xf32, #tpu.memory_space<vmem>>, vector<2048x8xf32>,
    %logistic3A = arith.negf %dot_general3A_5 : vector<2048x8xf32>
    %logistic3A_8 = math.exp %logistic3A : vector<2048x8xf32>
    %logistic3A_9 = arith.constant 1.000000e+00 : f32
    %logistic3A_10 = vector.broadcast %logistic3A_9 : f32 to vector<2048x8xf32>
    %logistic3A_11 = arith.addf %logistic3A_10, %logistic3A_8 : vector<2048x8xf32>
    %logistic3A_12 = arith.divf %logistic3A_10, %logistic3A_11 : vector<2048x8xf32>
    %iota3A = tpu.iota {dimensions = array<i32: 1>} : vector<2048x8xi32>
    %slice3A = vector.extract_strided_slice %logistic3A_12 {offsets = [0, 1], sizes = [2048, 7], strides = [1, 1]} : vector<2048x8xf32> to vector<2048x7xf32>
    %slice3A_13 = vector.extract_strided_slice %logistic3A_12 {offsets = [0, 0], sizes = [2048, 1], strides = [1, 1]} : vector<2048x8xf32> to vector<2048x1xf32>
    %concatenate3A = tpu.concatenate %slice3A, %slice3A_13 in 1 : vector<2048x7xf32>, vector<2048x1xf32> -> vector<2048x8xf32>
    %slice3A_14 = vector.extract_strided_slice %logistic3A_12 {offsets = [0, 7], sizes = [2048, 1], strides = [1, 1]} : vector<2048x8xf32> to vector<2048x1xf32>
    %slice3A_15 = vector.extract_strided_slice %logistic3A_12 {offsets = [0, 0], sizes = [2048, 7], strides = [1, 1]} : vector<2048x8xf32> to vector<2048x7xf32>
    %concatenate3A_16 = tpu.concatenate %slice3A_14, %slice3A_15 in 1 : vector<2048x1xf32>, vector<2048x7xf32> -> vector<2048x8xf32>
    %jit3A = arith.constant 2 : i32
    %eq3A = arith.constant 0 : i32
    %eq3A_17 = arith.cmpi eq, %jit3A, %eq3A : i32
    %jit3A_18 = arith.constant 1 : i32
    %select_n3A = arith.select %eq3A_17, %jit3A_18, %jit3A : i32
    %rem3A = vector.broadcast %select_n3A : i32 to vector<2048x8xi32>
    %rem3A_19 = arith.remsi %iota3A, %rem3A : vector<2048x8xi32>
    %ne3A = arith.constant 0 : i32
    %ne3A_20 = vector.broadcast %ne3A : i32 to vector<2048x8xi32>
    %ne3A_21 = arith.cmpi ne, %rem3A_19, %ne3A_20 : vector<2048x8xi32>
    %lt3A = arith.constant 0 : i32
    %lt3A_22 = vector.broadcast %lt3A : i32 to vector<2048x8xi32>
    %lt3A_23 = arith.cmpi slt, %rem3A_19, %lt3A_22 : vector<2048x8xi32>
    %lt3A_24 = arith.constant 0 : i32
    %lt3A_25 = arith.cmpi slt, %select_n3A, %lt3A_24 : i32
    %ne3A_26 = vector.broadcast %lt3A_25 : i1 to vector<2048x8xi1>
    %ne3A_27 = vector.broadcast %ne3A_26 : vector<2048x8xi1> to vector<2048x8xi1>
    %ne3A_28 = arith.xori %lt3A_23, %ne3A_27 : vector<2048x8xi1>
    %and3A = arith.andi %ne3A_28, %ne3A_21 : vector<2048x8xi1>
    %add3A = vector.broadcast %select_n3A : i32 to vector<2048x8xi32>
    %add3A_29 = arith.addi %rem3A_19, %add3A : vector<2048x8xi32>
    %select_n3A_30 = arith.select %and3A, %add3A_29, %rem3A_19 : vector<2048x8xi1>, vector<2048x8xi32>
    %eq3A_31 = arith.constant 0 : i32
    %eq3A_32 = vector.broadcast %eq3A_31 : i32 to vector<2048x8xi32>
    %eq3A_33 = arith.cmpi eq, %select_n3A_30, %eq3A_32 : vector<2048x8xi32>
    %select_n3A_34 = arith.select %eq3A_33, %concatenate3A, %concatenate3A_16 : vector<2048x8xi1>, vector<2048x8xf32>
    %add3A_35 = arith.addf %logistic3A_12, %select_n3A_34 : vector<2048x8xf32>
    %shift_right_arithmetic3A = arith.constant 1 : i32
    %shift_right_arithmetic3A_36 = vector.broadcast %shift_right_arithmetic3A : i32 to vector<2048x8xi32>
    %shift_right_arithmetic3A_37 = arith.shrsi %iota3A, %shift_right_arithmetic3A_36 : vector<2048x8xi32>
    %reduce_max3A = arith.constant dense<0xFF800000> : vector<2048xf32>
    %reduce_max3A_38 = vector.multi_reduction <maximumf>, %add3A_35, %reduce_max3A [1] : vector<2048x8xf32> to vector<2048xf32>
    %broadcast_in_dim3A = vector.shape_cast %reduce_max3A_38 : vector<2048xf32> to vector<2048x1xf32>
    %eq3A_39 = vector.broadcast %broadcast_in_dim3A : vector<2048x1xf32> to vector<2048x8xf32>
    %eq3A_40 = arith.cmpf oeq, %add3A_35, %eq3A_39 : vector<2048x8xf32>
    %jit3A_41 = arith.constant 99 : i32
    %broadcast_in_dim3A_42 = vector.broadcast %jit3A_41 : i32 to vector<2048x8xi32>
    %select_n3A_43 = arith.select %eq3A_40, %shift_right_arithmetic3A_37, %broadcast_in_dim3A_42 : vector<2048x8xi1>, vector<2048x8xi32>
    %reduce_min3A = arith.constant dense<2147483647> : vector<2048xi32>
    %reduce_min3A_44 = vector.multi_reduction <minsi>, %select_n3A_43, %reduce_min3A [1] : vector<2048x8xi32> to vector<2048xi32>
    %broadcast_in_dim3A_45 = vector.shape_cast %reduce_min3A_44 : vector<2048xi32> to vector<2048x1xi32>
    %eq3A_46 = vector.broadcast %broadcast_in_dim3A_45 : vector<2048x1xi32> to vector<2048x8xi32>
    %eq3A_47 = arith.cmpi eq, %shift_right_arithmetic3A_37, %eq3A_46 : vector<2048x8xi32>
    %jit3A_48 = arith.constant 0xFF800000 : f32
    %broadcast_in_dim3A_49 = vector.broadcast %jit3A_48 : f32 to vector<2048x8xf32>
    %select_n3A_50 = arith.select %eq3A_47, %broadcast_in_dim3A_49, %add3A_35 : vector<2048x8xi1>, vector<2048x8xf32>
    %reduce_max3A_51 = arith.constant dense<0xFF800000> : vector<2048xf32>
    %reduce_max3A_52 = vector.multi_reduction <maximumf>, %select_n3A_50, %reduce_max3A_51 [1] : vector<2048x8xf32> to vector<2048xf32>
    %broadcast_in_dim3A_53 = vector.shape_cast %reduce_max3A_52 : vector<2048xf32> to vector<2048x1xf32>
    %eq3A_54 = vector.broadcast %broadcast_in_dim3A_53 : vector<2048x1xf32> to vector<2048x8xf32>
    %eq3A_55 = arith.cmpf oeq, %select_n3A_50, %eq3A_54 : vector<2048x8xf32>
    %jit3A_56 = arith.constant 99 : i32
    %broadcast_in_dim3A_57 = vector.broadcast %jit3A_56 : i32 to vector<2048x8xi32>
    %select_n3A_58 = arith.select %eq3A_55, %shift_right_arithmetic3A_37, %broadcast_in_dim3A_57 : vector<2048x8xi1>, vector<2048x8xi32>
    %reduce_min3A_59 = arith.constant dense<2147483647> : vector<2048xi32>
    %reduce_min3A_60 = vector.multi_reduction <minsi>, %select_n3A_58, %reduce_min3A_59 [1] : vector<2048x8xi32> to vector<2048xi32>
    %broadcast_in_dim3A_61 = vector.shape_cast %reduce_min3A_60 : vector<2048xi32> to vector<2048x1xi32>
    %eq3A_62 = vector.broadcast %broadcast_in_dim3A_45 : vector<2048x1xi32> to vector<2048x8xi32>
    %eq3A_63 = arith.cmpi eq, %shift_right_arithmetic3A_37, %eq3A_62 : vector<2048x8xi32>
    %eq3A_64 = vector.broadcast %broadcast_in_dim3A_61 : vector<2048x1xi32> to vector<2048x8xi32>
    %eq3A_65 = arith.cmpi eq, %shift_right_arithmetic3A_37, %eq3A_64 : vector<2048x8xi32>
    %or3A = arith.ori %eq3A_63, %eq3A_65 : vector<2048x8xi1>
    %convert_element_type3A = arith.extui %or3A : vector<2048x8xi1> to vector<2048x8xi32>
    %convert_element_type3A_66 = arith.sitofp %convert_element_type3A : vector<2048x8xi32> to vector<2048x8xf32>
    %mul3A = arith.mulf %logistic3A_12, %convert_element_type3A_66 : vector<2048x8xf32>
    %reduce_max3A_67 = arith.constant dense<0xFF800000> : vector<2048xf32>
    %reduce_max3A_68 = vector.multi_reduction <maximumf>, %mul3A, %reduce_max3A_67 [1] : vector<2048x8xf32> to vector<2048xf32>
    %broadcast_in_dim3A_69 = vector.shape_cast %reduce_max3A_68 : vector<2048xf32> to vector<2048x1xf32>
    %eq3A_70 = vector.broadcast %broadcast_in_dim3A_69 : vector<2048x1xf32> to vector<2048x8xf32>
    %eq3A_71 = arith.cmpf oeq, %mul3A, %eq3A_70 : vector<2048x8xf32>
    %jit3A_72 = arith.constant 99 : i32
    %broadcast_in_dim3A_73 = vector.broadcast %jit3A_72 : i32 to vector<2048x8xi32>
    %select_n3A_74 = arith.select %eq3A_71, %iota3A, %broadcast_in_dim3A_73 : vector<2048x8xi1>, vector<2048x8xi32>
    %reduce_min3A_75 = arith.constant dense<2147483647> : vector<2048xi32>
    %reduce_min3A_76 = vector.multi_reduction <minsi>, %select_n3A_74, %reduce_min3A_75 [1] : vector<2048x8xi32> to vector<2048xi32>
    %broadcast_in_dim3A_77 = vector.shape_cast %reduce_min3A_76 : vector<2048xi32> to vector<2048x1xi32>
    %eq3A_78 = vector.broadcast %broadcast_in_dim3A_77 : vector<2048x1xi32> to vector<2048x8xi32>
    %eq3A_79 = arith.cmpi eq, %iota3A, %eq3A_78 : vector<2048x8xi32>
    %jit3A_80 = arith.constant 0xFF800000 : f32
    %broadcast_in_dim3A_81 = vector.broadcast %jit3A_80 : f32 to vector<2048x8xf32>
    %select_n3A_82 = arith.select %eq3A_79, %broadcast_in_dim3A_81, %mul3A : vector<2048x8xi1>, vector<2048x8xf32>
    %reduce_max3A_83 = arith.constant dense<0xFF800000> : vector<2048xf32>
    %reduce_max3A_84 = vector.multi_reduction <maximumf>, %select_n3A_82, %reduce_max3A_83 [1] : vector<2048x8xf32> to vector<2048xf32>
    %broadcast_in_dim3A_85 = vector.shape_cast %reduce_max3A_84 : vector<2048xf32> to vector<2048x1xf32>
    %eq3A_86 = vector.broadcast %broadcast_in_dim3A_85 : vector<2048x1xf32> to vector<2048x8xf32>
    %eq3A_87 = arith.cmpf oeq, %select_n3A_82, %eq3A_86 : vector<2048x8xf32>
    %jit3A_88 = arith.constant 99 : i32
    %broadcast_in_dim3A_89 = vector.broadcast %jit3A_88 : i32 to vector<2048x8xi32>
    %select_n3A_90 = arith.select %eq3A_87, %iota3A, %broadcast_in_dim3A_89 : vector<2048x8xi1>, vector<2048x8xi32>
    %reduce_min3A_91 = arith.constant dense<2147483647> : vector<2048xi32>
    %reduce_min3A_92 = vector.multi_reduction <minsi>, %select_n3A_90, %reduce_min3A_91 [1] : vector<2048x8xi32> to vector<2048xi32>
    %broadcast_in_dim3A_93 = vector.shape_cast %reduce_min3A_92 : vector<2048xi32> to vector<2048x1xi32>
    %add3A_94 = arith.addf %broadcast_in_dim3A_69, %broadcast_in_dim3A_85 : vector<2048x1xf32>
    %max3A = arith.constant 9.99999996E-13 : f32
    %max3A_95 = vector.broadcast %max3A : f32 to vector<2048x1xf32>
    %max3A_96 = arith.maximumf %add3A_94, %max3A_95 : vector<2048x1xf32>
    %div3A = arith.divf %broadcast_in_dim3A_69, %max3A_96 : vector<2048x1xf32>
    %swap3A_97 = arith.constant 0 : index
    %swap3A_98 = arith.constant 0 : index
    %swap3A_99 = vector.load %arg5[%swap3A_97, %swap3A_98] : memref<2048x1xf32, #tpu.memory_space<vmem>>, vector<2048x1xf32>
    tpu.vector_store %arg5[%swap3A_97, %swap3A_98], %div3A {strides = array<i32>} : memref<2048x1xf32, #tpu.memory_space<vmem>>, vector<2048x1xf32>,
    %div3A_100 = arith.divf %broadcast_in_dim3A_85, %max3A_96 : vector<2048x1xf32>
    %swap3A_101 = arith.constant 0 : index
    %swap3A_102 = arith.constant 0 : index
    %swap3A_103 = vector.load %arg6[%swap3A_101, %swap3A_102] : memref<2048x1xf32, #tpu.memory_space<vmem>>, vector<2048x1xf32>
    tpu.vector_store %arg6[%swap3A_101, %swap3A_102], %div3A_100 {strides = array<i32>} : memref<2048x1xf32, #tpu.memory_space<vmem>>, vector<2048x1xf32>,
    %eq3A_104 = vector.broadcast %broadcast_in_dim3A_77 : vector<2048x1xi32> to vector<2048x8xi32>
    %eq3A_105 = arith.cmpi eq, %iota3A, %eq3A_104 : vector<2048x8xi32>
    %convert_element_type3A_106 = arith.extui %eq3A_105 : vector<2048x8xi1> to vector<2048x8xi32>
    %eq3A_107 = vector.broadcast %broadcast_in_dim3A_93 : vector<2048x1xi32> to vector<2048x8xi32>
    %eq3A_108 = arith.cmpi eq, %iota3A, %eq3A_107 : vector<2048x8xi32>
    %convert_element_type3A_109 = arith.extui %eq3A_108 : vector<2048x8xi1> to vector<2048x8xi32>
    %add3A_110 = arith.addi %convert_element_type3A_106, %convert_element_type3A_109 : vector<2048x8xi32>
    %convert_element_type3A_111 = arith.sitofp %add3A_110 : vector<2048x8xi32> to vector<2048x8xf32>
    %iota3A_112 = tpu.iota {dimensions = array<i32: 0>} : vector<512x512xi32>
    %iota3A_113 = tpu.iota {dimensions = array<i32: 1>} : vector<512x512xi32>
    %gt3A = arith.cmpi sgt, %iota3A_112, %iota3A_113 : vector<512x512xi32>
    %convert_element_type3A_114 = arith.extui %gt3A : vector<512x512xi1> to vector<512x512xi32>
    %convert_element_type3A_115 = arith.sitofp %convert_element_type3A_114 : vector<512x512xi32> to vector<512x512xf32>
    %convert_element_type3A_116 = arith.truncf %convert_element_type3A_115 : vector<512x512xf32> to vector<512x512xbf16>
    %broadcast_in_dim3A_117 = arith.constant 0.000000e+00 : f32
    %broadcast_in_dim3A_118 = vector.broadcast %broadcast_in_dim3A_117 : f32 to vector<1x8xf32>
    %slice3A_119 = vector.extract_strided_slice %convert_element_type3A_111 {offsets = [0, 0], sizes = [512, 8], strides = [1, 1]} : vector<2048x8xf32> to vector<512x8xf32>
    %convert_element_type3A_120 = arith.truncf %slice3A_119 : vector<512x8xf32> to vector<512x8xbf16>
    %dot_general3A_121 = arith.constant dense<0.000000e+00> : vector<512x8xf32>
    %dot_general3A_122 = tpu.matmul %convert_element_type3A_116, %convert_element_type3A_120, %dot_general3A_121 {dimension_numbers = #tpu.dot_dimension_numbers<[1], [0], [0], [1], [0, 0, 1, 1], [], []>, transpose_lhs_hint = false} : vector<512x512xbf16>, vector<512x8xbf16>, vector<512x8xf32> -> vector<512x8xf32>
    %add3A_123 = vector.broadcast %broadcast_in_dim3A_118 : vector<1x8xf32> to vector<512x8xf32>
    %add3A_124 = arith.addf %dot_general3A_122, %add3A_123 : vector<512x8xf32>
    %reduce_sum3A = arith.constant dense<0.000000e+00> : vector<8xf32>
    %reduce_sum3A_125 = vector.multi_reduction <add>, %slice3A_119, %reduce_sum3A [0] : vector<512x8xf32> to vector<8xf32>
    %broadcast_in_dim3A_126 = vector.shape_cast %reduce_sum3A_125 : vector<8xf32> to vector<1x8xf32>
    %add3A_127 = arith.addf %broadcast_in_dim3A_118, %broadcast_in_dim3A_126 : vector<1x8xf32>
    %slice3A_128 = vector.extract_strided_slice %convert_element_type3A_111 {offsets = [512, 0], sizes = [512, 8], strides = [1, 1]} : vector<2048x8xf32> to vector<512x8xf32>
    %convert_element_type3A_129 = arith.truncf %slice3A_128 : vector<512x8xf32> to vector<512x8xbf16>
    %dot_general3A_130 = arith.constant dense<0.000000e+00> : vector<512x8xf32>
    %dot_general3A_131 = tpu.matmul %convert_element_type3A_116, %convert_element_type3A_129, %dot_general3A_130 {dimension_numbers = #tpu.dot_dimension_numbers<[1], [0], [0], [1], [0, 0, 1, 1], [], []>, transpose_lhs_hint = false} : vector<512x512xbf16>, vector<512x8xbf16>, vector<512x8xf32> -> vector<512x8xf32>
    %add3A_132 = vector.broadcast %add3A_127 : vector<1x8xf32> to vector<512x8xf32>
    %add3A_133 = arith.addf %dot_general3A_131, %add3A_132 : vector<512x8xf32>
    %reduce_sum3A_134 = arith.constant dense<0.000000e+00> : vector<8xf32>
    %reduce_sum3A_135 = vector.multi_reduction <add>, %slice3A_128, %reduce_sum3A_134 [0] : vector<512x8xf32> to vector<8xf32>
    %broadcast_in_dim3A_136 = vector.shape_cast %reduce_sum3A_135 : vector<8xf32> to vector<1x8xf32>
    %add3A_137 = arith.addf %add3A_127, %broadcast_in_dim3A_136 : vector<1x8xf32>
    %slice3A_138 = vector.extract_strided_slice %convert_element_type3A_111 {offsets = [1024, 0], sizes = [512, 8], strides = [1, 1]} : vector<2048x8xf32> to vector<512x8xf32>
    %convert_element_type3A_139 = arith.truncf %slice3A_138 : vector<512x8xf32> to vector<512x8xbf16>
    %dot_general3A_140 = arith.constant dense<0.000000e+00> : vector<512x8xf32>
    %dot_general3A_141 = tpu.matmul %convert_element_type3A_116, %convert_element_type3A_139, %dot_general3A_140 {dimension_numbers = #tpu.dot_dimension_numbers<[1], [0], [0], [1], [0, 0, 1, 1], [], []>, transpose_lhs_hint = false} : vector<512x512xbf16>, vector<512x8xbf16>, vector<512x8xf32> -> vector<512x8xf32>
    %add3A_142 = vector.broadcast %add3A_137 : vector<1x8xf32> to vector<512x8xf32>
    %add3A_143 = arith.addf %dot_general3A_141, %add3A_142 : vector<512x8xf32>
    %reduce_sum3A_144 = arith.constant dense<0.000000e+00> : vector<8xf32>
    %reduce_sum3A_145 = vector.multi_reduction <add>, %slice3A_138, %reduce_sum3A_144 [0] : vector<512x8xf32> to vector<8xf32>
    %broadcast_in_dim3A_146 = vector.shape_cast %reduce_sum3A_145 : vector<8xf32> to vector<1x8xf32>
    %add3A_147 = arith.addf %add3A_137, %broadcast_in_dim3A_146 : vector<1x8xf32>
    %slice3A_148 = vector.extract_strided_slice %convert_element_type3A_111 {offsets = [1536, 0], sizes = [512, 8], strides = [1, 1]} : vector<2048x8xf32> to vector<512x8xf32>
    %convert_element_type3A_149 = arith.truncf %slice3A_148 : vector<512x8xf32> to vector<512x8xbf16>
    %dot_general3A_150 = arith.constant dense<0.000000e+00> : vector<512x8xf32>
    %dot_general3A_151 = tpu.matmul %convert_element_type3A_116, %convert_element_type3A_149, %dot_general3A_150 {dimension_numbers = #tpu.dot_dimension_numbers<[1], [0], [0], [1], [0, 0, 1, 1], [], []>, transpose_lhs_hint = false} : vector<512x512xbf16>, vector<512x8xbf16>, vector<512x8xf32> -> vector<512x8xf32>
    %add3A_152 = vector.broadcast %add3A_147 : vector<1x8xf32> to vector<512x8xf32>
    %add3A_153 = arith.addf %dot_general3A_151, %add3A_152 : vector<512x8xf32>
    %reduce_sum3A_154 = arith.constant dense<0.000000e+00> : vector<8xf32>
    %reduce_sum3A_155 = vector.multi_reduction <add>, %slice3A_148, %reduce_sum3A_154 [0] : vector<512x8xf32> to vector<8xf32>
    %broadcast_in_dim3A_156 = vector.shape_cast %reduce_sum3A_155 : vector<8xf32> to vector<1x8xf32>
    %add3A_157 = arith.addf %add3A_147, %broadcast_in_dim3A_156 : vector<1x8xf32>
    %concatenate3A_158 = tpu.concatenate %add3A_124, %add3A_133, %add3A_143, %add3A_153 in 0 : vector<512x8xf32>, vector<512x8xf32>, vector<512x8xf32>, vector<512x8xf32> -> vector<2048x8xf32>
    %convert_element_type3A_159 = arith.fptosi %concatenate3A_158 : vector<2048x8xf32> to vector<2048x8xi32>
    %convert_element_type3A_160 = arith.fptosi %add3A_157 : vector<1x8xf32> to vector<1x8xi32>
    %add3A_161 = arith.constant 255 : i32
    %add3A_162 = vector.broadcast %add3A_161 : i32 to vector<1x8xi32>
    %add3A_163 = arith.addi %convert_element_type3A_160, %add3A_162 : vector<1x8xi32>
    %jit3A_164 = arith.constant 256 : i32
    %div3A_165 = vector.broadcast %jit3A_164 : i32 to vector<1x8xi32>
    %div3A_166 = arith.divsi %add3A_163, %div3A_165 : vector<1x8xi32>
    %sign3A = arith.constant 0 : i32
    %sign3A_167 = vector.broadcast %sign3A : i32 to vector<1x8xi32>
    %sign3A_168 = arith.cmpi sgt, %add3A_163, %sign3A_167 : vector<1x8xi32>
    %sign3A_169 = arith.extui %sign3A_168 : vector<1x8xi1> to vector<1x8xi32>
    %sign3A_170 = arith.constant 0 : i32
    %sign3A_171 = vector.broadcast %sign3A_170 : i32 to vector<1x8xi32>
    %sign3A_172 = arith.cmpi slt, %add3A_163, %sign3A_171 : vector<1x8xi32>
    %sign3A_173 = arith.extui %sign3A_172 : vector<1x8xi1> to vector<1x8xi32>
    %sign3A_174 = arith.subi %sign3A_169, %sign3A_173 : vector<1x8xi32>
    %sign3A_175 = arith.constant 0 : i32
    %sign3A_176 = arith.cmpi sgt, %jit3A_164, %sign3A_175 : i32
    %sign3A_177 = arith.extui %sign3A_176 : i1 to i32
    %sign3A_178 = arith.constant 0 : i32
    %sign3A_179 = arith.cmpi slt, %jit3A_164, %sign3A_178 : i32
    %sign3A_180 = arith.extui %sign3A_179 : i1 to i32
    %sign3A_181 = arith.subi %sign3A_177, %sign3A_180 : i32
    %ne3A_182 = vector.broadcast %sign3A_181 : i32 to vector<1x8xi32>
    %ne3A_183 = arith.cmpi ne, %sign3A_174, %ne3A_182 : vector<1x8xi32>
    %rem3A_184 = vector.broadcast %jit3A_164 : i32 to vector<1x8xi32>
    %rem3A_185 = arith.remsi %add3A_163, %rem3A_184 : vector<1x8xi32>
    %ne3A_186 = arith.constant 0 : i32
    %ne3A_187 = vector.broadcast %ne3A_186 : i32 to vector<1x8xi32>
    %ne3A_188 = arith.cmpi ne, %rem3A_185, %ne3A_187 : vector<1x8xi32>
    %and3A_189 = arith.andi %ne3A_183, %ne3A_188 : vector<1x8xi1>
    %sub3A = arith.constant 1 : i32
    %sub3A_190 = vector.broadcast %sub3A : i32 to vector<1x8xi32>
    %sub3A_191 = arith.subi %div3A_166, %sub3A_190 : vector<1x8xi32>
    %select_n3A_192 = arith.select %and3A_189, %sub3A_191, %div3A_166 : vector<1x8xi1>, vector<1x8xi32>
    %mul3A_193 = arith.constant 256 : i32
    %mul3A_194 = vector.broadcast %mul3A_193 : i32 to vector<1x8xi32>
    %mul3A_195 = arith.muli %select_n3A_192, %mul3A_194 : vector<1x8xi32>
    %iota3A_196 = tpu.iota {dimensions = array<i32: 1>} : vector<1x8xi32>
    %iota3A_197 = tpu.iota {dimensions = array<i32: 0>} : vector<8x8xi32>
    %iota3A_198 = tpu.iota {dimensions = array<i32: 1>} : vector<8x8xi32>
    %lt3A_199 = arith.cmpi slt, %iota3A_197, %iota3A_198 : vector<8x8xi32>
    %convert_element_type3A_200 = arith.extui %lt3A_199 : vector<8x8xi1> to vector<8x8xi32>
    %convert_element_type3A_201 = arith.sitofp %convert_element_type3A_200 : vector<8x8xi32> to vector<8x8xf32>
    %convert_element_type3A_202 = arith.sitofp %mul3A_195 : vector<1x8xi32> to vector<1x8xf32>
    %dot_general3A_203 = arith.constant dense<0.000000e+00> : vector<1x8xf32>
    %dot_general3A_204 = tpu.matmul %convert_element_type3A_202, %convert_element_type3A_201, %dot_general3A_203 {dimension_numbers = #tpu.dot_dimension_numbers<[1], [0], [0], [1], [0, 0, 1, 1], [], []>, transpose_lhs_hint = false} : vector<1x8xf32>, vector<8x8xf32>, vector<1x8xf32> -> vector<1x8xf32>
    %convert_element_type3A_205 = arith.fptosi %dot_general3A_204 : vector<1x8xf32> to vector<1x8xi32>
    %mul3A_206 = arith.muli %convert_element_type3A_106, %convert_element_type3A_159 : vector<2048x8xi32>
    %reduce_sum3A_207 = arith.constant dense<0> : vector<2048xi32>
    %reduce_sum3A_208 = vector.multi_reduction <add>, %mul3A_206, %reduce_sum3A_207 [1] : vector<2048x8xi32> to vector<2048xi32>
    %broadcast_in_dim3A_209 = vector.shape_cast %reduce_sum3A_208 : vector<2048xi32> to vector<2048x1xi32>
    %mul3A_210 = arith.muli %convert_element_type3A_109, %convert_element_type3A_159 : vector<2048x8xi32>
    %reduce_sum3A_211 = arith.constant dense<0> : vector<2048xi32>
    %reduce_sum3A_212 = vector.multi_reduction <add>, %mul3A_210, %reduce_sum3A_211 [1] : vector<2048x8xi32> to vector<2048xi32>
    %broadcast_in_dim3A_213 = vector.shape_cast %reduce_sum3A_212 : vector<2048xi32> to vector<2048x1xi32>
    %mul3A_214 = vector.broadcast %convert_element_type3A_205 : vector<1x8xi32> to vector<2048x8xi32>
    %mul3A_215 = arith.muli %convert_element_type3A_106, %mul3A_214 : vector<2048x8xi32>
    %reduce_sum3A_216 = arith.constant dense<0> : vector<2048xi32>
    %reduce_sum3A_217 = vector.multi_reduction <add>, %mul3A_215, %reduce_sum3A_216 [1] : vector<2048x8xi32> to vector<2048xi32>
    %broadcast_in_dim3A_218 = vector.shape_cast %reduce_sum3A_217 : vector<2048xi32> to vector<2048x1xi32>
    %add3A_219 = arith.addi %broadcast_in_dim3A_218, %broadcast_in_dim3A_209 : vector<2048x1xi32>
    %swap3A_220 = arith.constant 0 : index
    %swap3A_221 = arith.constant 0 : index
    %swap3A_222 = vector.load %arg3[%swap3A_220, %swap3A_221] : memref<2048x1xi32, #tpu.memory_space<vmem>>, vector<2048x1xi32>
    tpu.vector_store %arg3[%swap3A_220, %swap3A_221], %add3A_219 {strides = array<i32>} : memref<2048x1xi32, #tpu.memory_space<vmem>>, vector<2048x1xi32>,
    %mul3A_223 = vector.broadcast %convert_element_type3A_205 : vector<1x8xi32> to vector<2048x8xi32>
    %mul3A_224 = arith.muli %convert_element_type3A_109, %mul3A_223 : vector<2048x8xi32>
    %reduce_sum3A_225 = arith.constant dense<0> : vector<2048xi32>
    %reduce_sum3A_226 = vector.multi_reduction <add>, %mul3A_224, %reduce_sum3A_225 [1] : vector<2048x8xi32> to vector<2048xi32>
    %broadcast_in_dim3A_227 = vector.shape_cast %reduce_sum3A_226 : vector<2048xi32> to vector<2048x1xi32>
    %add3A_228 = arith.addi %broadcast_in_dim3A_227, %broadcast_in_dim3A_213 : vector<2048x1xi32>
    %swap3A_229 = arith.constant 0 : index
    %swap3A_230 = arith.constant 0 : index
    %swap3A_231 = vector.load %arg4[%swap3A_229, %swap3A_230] : memref<2048x1xi32, #tpu.memory_space<vmem>>, vector<2048x1xi32>
    tpu.vector_store %arg4[%swap3A_229, %swap3A_230], %add3A_228 {strides = array<i32>} : memref<2048x1xi32, #tpu.memory_space<vmem>>, vector<2048x1xi32>,
    %iota3A_232 = tpu.iota {dimensions = array<i32: 0>} : vector<24x8xi32>
    %mul3A_233 = arith.constant 256 : i32
    %mul3A_234 = vector.broadcast %mul3A_233 : i32 to vector<24x8xi32>
    %mul3A_235 = arith.muli %iota3A_232, %mul3A_234 : vector<24x8xi32>
    %broadcast_in_dim3A_236 = vector.shape_cast %convert_element_type3A_205 : vector<1x8xi32> to vector<1x8xi32>
    %broadcast_in_dim3A_237 = vector.broadcast %broadcast_in_dim3A_236 : vector<1x8xi32> to vector<24x8xi32>
    %broadcast_in_dim3A_238 = vector.shape_cast %mul3A_195 : vector<1x8xi32> to vector<1x8xi32>
    %broadcast_in_dim3A_239 = vector.broadcast %broadcast_in_dim3A_238 : vector<1x8xi32> to vector<24x8xi32>
    %iota3A_240 = tpu.iota {dimensions = array<i32: 1>} : vector<24x8xi32>
    %ge3A = arith.cmpi sge, %mul3A_235, %broadcast_in_dim3A_237 : vector<24x8xi32>
    %add3A_241 = arith.addi %broadcast_in_dim3A_237, %broadcast_in_dim3A_239 : vector<24x8xi32>
    %lt3A_242 = arith.cmpi slt, %mul3A_235, %add3A_241 : vector<24x8xi32>
    %and3A_243 = arith.andi %ge3A, %lt3A_242 : vector<24x8xi1>
    %jit3A_244 = arith.constant 0 : i32
    %broadcast_in_dim3A_245 = vector.broadcast %jit3A_244 : i32 to vector<24x8xi32>
    %select_n3A_246 = arith.select %and3A_243, %iota3A_240, %broadcast_in_dim3A_245 : vector<24x8xi1>, vector<24x8xi32>
    %reduce_sum3A_247 = arith.constant dense<0> : vector<24xi32>
    %reduce_sum3A_248 = vector.multi_reduction <add>, %select_n3A_246, %reduce_sum3A_247 [1] : vector<24x8xi32> to vector<24xi32>
    %broadcast_in_dim3A_249 = vector.shape_cast %reduce_sum3A_248 : vector<24xi32> to vector<24x1xi32>
    %reduce_sum3A_250 = arith.constant dense<0> : vector<1xi32>
    %reduce_sum3A_251 = vector.multi_reduction <add>, %mul3A_195, %reduce_sum3A_250 [1] : vector<1x8xi32> to vector<1xi32>
    %broadcast_in_dim3A_252 = vector.shape_cast %reduce_sum3A_251 : vector<1xi32> to vector<1x1xi32>
    %gt3A_253 = arith.constant 0 : i32
    %gt3A_254 = vector.broadcast %gt3A_253 : i32 to vector<1x8xi32>
    %gt3A_255 = arith.cmpi sgt, %mul3A_195, %gt3A_254 : vector<1x8xi32>
    %jit3A_256 = arith.constant 0 : i32
    %broadcast_in_dim3A_257 = vector.broadcast %jit3A_256 : i32 to vector<1x8xi32>
    %select_n3A_258 = arith.select %gt3A_255, %iota3A_196, %broadcast_in_dim3A_257 : vector<1x8xi1>, vector<1x8xi32>
    %reduce_max3A_259 = arith.constant dense<-2147483648> : vector<1xi32>
    %reduce_max3A_260 = vector.multi_reduction <maxsi>, %select_n3A_258, %reduce_max3A_259 [1] : vector<1x8xi32> to vector<1xi32>
    %broadcast_in_dim3A_261 = vector.shape_cast %reduce_max3A_260 : vector<1xi32> to vector<1x1xi32>
    %slice3A_262 = vector.extract_strided_slice %mul3A_235 {offsets = [0, 0], sizes = [24, 1], strides = [1, 1]} : vector<24x8xi32> to vector<24x1xi32>
    %broadcast_in_dim3A_263 = vector.shape_cast %broadcast_in_dim3A_252 : vector<1x1xi32> to vector<1x1xi32>
    %broadcast_in_dim3A_264 = vector.broadcast %broadcast_in_dim3A_263 : vector<1x1xi32> to vector<24x1xi32>
    %lt3A_265 = arith.cmpi slt, %slice3A_262, %broadcast_in_dim3A_264 : vector<24x1xi32>
    %broadcast_in_dim3A_266 = vector.shape_cast %broadcast_in_dim3A_261 : vector<1x1xi32> to vector<1x1xi32>
    %broadcast_in_dim3A_267 = vector.broadcast %broadcast_in_dim3A_266 : vector<1x1xi32> to vector<24x1xi32>
    %select_n3A_268 = arith.select %lt3A_265, %broadcast_in_dim3A_249, %broadcast_in_dim3A_267 : vector<24x1xi1>, vector<24x1xi32>
    %swap3A_269 = arith.constant 0 : index
    %swap3A_270 = arith.constant 0 : index
    %swap3A_271 = vector.load %arg7[%swap3A_269, %swap3A_270] : memref<24x1xi32, #tpu.memory_space<vmem>>, vector<24x1xi32>
    tpu.vector_store %arg7[%swap3A_269, %swap3A_270], %select_n3A_268 {strides = array<i32>} : memref<24x1xi32, #tpu.memory_space<vmem>>, vector<24x1xi32>,
    %convert_element_type3A_272 = arith.extui %lt3A_265 : vector<24x1xi1> to vector<24x1xi32>
    %swap3A_273 = arith.constant 0 : index
    %swap3A_274 = arith.constant 0 : index
    %swap3A_275 = vector.load %arg8[%swap3A_273, %swap3A_274] : memref<24x1xi32, #tpu.memory_space<vmem>>, vector<24x1xi32>
    tpu.vector_store %arg8[%swap3A_273, %swap3A_274], %convert_element_type3A_272 {strides = array<i32>} : memref<24x1xi32, #tpu.memory_space<vmem>>, vector<24x1xi32>,
    return
  }
}

module attributes {stable_mosaic.version = 14 : i64} {
  func.func @_final_add_body(%arg0: i32, %arg1: memref<256x1024xf32, #tpu.memory_space<vmem>>, %arg2: memref<256x1024xf32, #tpu.memory_space<vmem>>, %arg3: memref<256x1024xf32, #tpu.memory_space<vmem>>, %arg4: memref<256x1xf32, #tpu.memory_space<vmem>>, %arg5: memref<256x1xf32, #tpu.memory_space<vmem>>, %arg6: memref<256x1024xf32, #tpu.memory_space<vmem>>) attributes {dimension_semantics = [#tpu.dimension_semantics<parallel>], iteration_bounds = array<i64: 8>, scalar_prefetch = 0 : i64, scratch_operands = 0 : i64, tpu.core_type = #tpu.core_type<tc>, window_params = [{transform_indices = @transform_0, window_bounds = array<i64: 256, 1024>}, {transform_indices = @transform_1, window_bounds = array<i64: 256, 1024>}, {transform_indices = @transform_2, window_bounds = array<i64: 256, 1024>}, {transform_indices = @transform_3, window_bounds = array<i64: 256, 1>}, {transform_indices = @transform_4, window_bounds = array<i64: 256, 1>}, {transform_indices = @transform_5, window_bounds = array<i64: 256, 1024>}]} {
    %get3A = arith.constant 0 : index
    %get3A_0 = arith.constant 0 : index
    %get3A_1 = vector.load %arg2[%get3A, %get3A_0] : memref<256x1024xf32, #tpu.memory_space<vmem>>, vector<256x1024xf32>
    %get3A_2 = arith.constant 0 : index
    %get3A_3 = arith.constant 0 : index
    %get3A_4 = vector.load %arg4[%get3A_2, %get3A_3] : memref<256x1xf32, #tpu.memory_space<vmem>>, vector<256x1xf32>
    %mul3A = vector.broadcast %get3A_4 : vector<256x1xf32> to vector<256x1024xf32>
    %mul3A_5 = arith.mulf %get3A_1, %mul3A : vector<256x1024xf32>
    %get3A_6 = arith.constant 0 : index
    %get3A_7 = arith.constant 0 : index
    %get3A_8 = vector.load %arg3[%get3A_6, %get3A_7] : memref<256x1024xf32, #tpu.memory_space<vmem>>, vector<256x1024xf32>
    %get3A_9 = arith.constant 0 : index
    %get3A_10 = arith.constant 0 : index
    %get3A_11 = vector.load %arg5[%get3A_9, %get3A_10] : memref<256x1xf32, #tpu.memory_space<vmem>>, vector<256x1xf32>
    %mul3A_12 = vector.broadcast %get3A_11 : vector<256x1xf32> to vector<256x1024xf32>
    %mul3A_13 = arith.mulf %get3A_8, %mul3A_12 : vector<256x1024xf32>
    %add3A = arith.addf %mul3A_5, %mul3A_13 : vector<256x1024xf32>
    %get3A_14 = arith.constant 0 : index
    %get3A_15 = arith.constant 0 : index
    %get3A_16 = vector.load %arg1[%get3A_14, %get3A_15] : memref<256x1024xf32, #tpu.memory_space<vmem>>, vector<256x1024xf32>
    %add3A_17 = arith.addf %add3A, %get3A_16 : vector<256x1024xf32>
    %swap3A = arith.constant 0 : index
    %swap3A_18 = arith.constant 0 : index
    %swap3A_19 = vector.load %arg6[%swap3A, %swap3A_18] : memref<256x1024xf32, #tpu.memory_space<vmem>>, vector<256x1024xf32>
    tpu.vector_store %arg6[%swap3A, %swap3A_18], %add3A_17 {strides = array<i32>} : memref<256x1024xf32, #tpu.memory_space<vmem>>, vector<256x1024xf32>,
    return
  }
  func.func @transform_0(%arg0: i32) -> (i32, i32) {
    %c0_i32 = arith.constant 0 : i32
    %c0_i32_0 = arith.constant 0 : i32
    return %arg0, %c0_i32 : i32, i32
  }
  func.func @transform_1(%arg0: i32) -> (i32, i32) {
    %c0_i32 = arith.constant 0 : i32
    %c0_i32_0 = arith.constant 0 : i32
    return %arg0, %c0_i32 : i32, i32
  }
  func.func @transform_2(%arg0: i32) -> (i32, i32) {
    %c0_i32 = arith.constant 0 : i32
    %c0_i32_0 = arith.constant 0 : i32
    return %arg0, %c0_i32 : i32, i32
  }
  func.func @transform_3(%arg0: i32) -> (i32, i32) {
    %c0_i32 = arith.constant 0 : i32
    %c0_i32_0 = arith.constant 0 : i32
    return %arg0, %c0_i32 : i32, i32
  }
  func.func @transform_4(%arg0: i32) -> (i32, i32) {
    %c0_i32 = arith.constant 0 : i32
    %c0_i32_0 = arith.constant 0 : i32
    return %arg0, %c0_i32 : i32, i32
  }
  func.func @transform_5(%arg0: i32) -> (i32, i32) {
    %c0_i32 = arith.constant 0 : i32
    %c0_i32_0 = arith.constant 0 : i32
    return %arg0, %c0_i32 : i32, i32
  }
}

</mosaic_0001>

<sc_bundles>
// kernel: kernel.11.cloned.1.call-start
scs
__scs_entry_jumppad:
0x0: {  	(pc) =	sbr.rel $0x88, $3  }
0x1: {  	(tag) =	ssettag $0x0;
	lr =	simm.s32 $0x1  }
0x2: {  	[smem:$0x3F99] =	sst lr;
	_ =	strace $0xD0000000  }
0x3: {  	_ = 	snop  }
0x4: {  	_ = 	snop  }
0x5: {  	_ = 	snop  }
0x6: {  	_ = 	snop  }
0x7: {  	_ = 	snop  }
__scs_overlays_trampoline_lowered:
0x8: {  	[smem:$0x3FA8] =	sst s0  }
0x9: {  	[smem:$0x3FA9] =	sst s1  }
0xa: {  	[smem:$0x3FAA] =	sst s2  }
0xb: {  	[smem:$0x3FAB] =	sst s3  }
0xc: {  	[smem:$0x3FAC] =	sst s4  }
0xd: {  	[smem:$0x3FAD] =	sst s5  }
0xe: {  	[smem:$0x3FAE] =	sst s6  }
0xf: {  	[smem:$0x3FAF] =	sst s7  }
0x10: {  	[smem:$0x3FB0] =	sst s8  }
0x11: {  	[smem:$0x3FB1] =	sst s9;
	s0 =	simm.s32 @!p0 $0x0  }
0x12: {  	s1 =	sld [smem:$0x3F97];
	s0 =	simm.s32 @p0 $0x1  }
0x13: {  	[smem:$0x3FB2] =	sst s0;
	s0 =	simm.s32 @!p1 $0x0  }
0x14: {  	s2 =	sld [smem:$0x3F96];
	s0 =	simm.s32 @p1 $0x1  }
0x15: {  	[smem:$0x3FB3] =	sst s0;
	s0 =	simm.s32 @!p2 $0x0  }
0x16: {  	s3 =	sld [smem:$0x3FDB];
	s0 =	simm.s32 @p2 $0x1  }
0x17: {  	s4 =	simm.s32 $0x1BF5;
	[smem:$0x3FB5] =	sst s0  }
0x18: {  	s0 =	sld [smem:$0x3F98];
	_ =	swait.ge [sflag:s4], $0x0  }
0x19: {  	s7 =	sld [smem:$0x3F99]  }
0x1a: {  	s8 =	sadd.s32 $0xFFFFE003, lr  }
0x1b: {  	s9 =	sadd.s32 $0xFFFFFEF7, lr;
	s5 =	simm.s32 $0xFFFFFFFF;
	p2 =	slt.u32 s8, $0xFFFFF086  }
0x1c: {  	p1 =	slt.u32 s9, $0xF7A;
	s5 =	simm.s32 @!p2 $0x0  }
0x1d: {  	s5 =	simm.s32 @p1 $0x1;
	p0 =	seq.s32 s7, s2  }
0x1e: {  	s7 =	smul.u32 @!p0 $0xF7A, s2;
	p2 =	seq.s32 @!p0 s5, $0x0  }
0x1f: {  	s9 =	smul.u32 $0xF7A, s1;
	s8 =	simm.s32 @!p0 $0x1BF5;
	p2 =	por !p2, p0  }
0x20: {  	[sflag:s8] =	ssyncset.s32 @!p0 $0xFFFFF086;
	s6 =	sadd.s32 @!p0 s3, s7;
	s7 =	simm.s32 @!p0 $0x108  }
0x21: {  	s3 =	sadd.s32 s3, s9;
	s6 =	sadd.s32 @!p0 $0x88, s6;
	s7 =	simm.s32 @p2 $0x1082  }
0x22: {  	[simem:s7], [sflag:s8] =	dma.local @!p0 [hbm:s6], $0xF7A  }
0x23: {  	s9 =	sor.u32 $0xD0000000, s2;
	s6 =	simm.s32 $0x108;
	_ =	swait.ge @!p0 [sflag:s8], $0x0  }
0x24: {  	s3 =	sadd.s32 $0x88, s3;
	s6 =	simm.s32 @!p1 $0x1082;
	[sflag:s4] =	ssyncset.s32 $0xFFFFF086  }
0x25: {  	[simem:s6], [sflag:s4] =	dma.local [hbm:s3], $0xF7A  }
0x26: {  	[smem:$0x3F99] =	sst s1;
	(tag) =	ssettag s2;
	_ =	strace s9  }
0x27: {  	s1 =	sld [smem:$0x3FA9]  }
0x28: {  	s2 =	sld [smem:$0x3FAA]  }
0x29: {  	s4 =	sld [smem:$0x3FAC]  }
0x2a: {  	p0 =	seq.s32 s5, $0x0;
	s5 =	sld [smem:$0x3FAD]  }
0x2b: {  	s6 =	sld [smem:$0x3FAE]  }
0x2c: {  	s7 =	sld [smem:$0x3FAF]  }
0x2d: {  	s3 =	simm.s32 $0x108;
	s8 =	sld [smem:$0x3FB0]  }
0x2e: {  	s3 =	simm.s32 @!p0 $0x1082;
	s9 =	sld [smem:$0x3FB1]  }
0x2f: {  	lr =	sadd.s32 s0, s3;
	s0 =	sld [smem:$0x3FA8]  }
0x30: {  	s3 =	sld [smem:$0x3FAB]  }
0x31: {  	[smem:$0x3FB4] =	sst s10  }
0x32: {  	s10 =	sld [smem:$0x3FB2];
	_ =	sdelay $0x3  }
0x33: {  	p0 =	seq.s32 s10, $0x1;
	s10 =	sld [smem:$0x3FB4];
	_ =	sdelay $0x3  }
0x34: {  	[smem:$0x3FB4] =	sst s10  }
0x35: {  	s10 =	sld [smem:$0x3FB3];
	_ =	sdelay $0x3  }
0x36: {  	p1 =	seq.s32 s10, $0x1;
	s10 =	sld [smem:$0x3FB4];
	_ =	sdelay $0x3  }
0x37: {  	[smem:$0x3FB4] =	sst s10  }
0x38: {  	s10 =	sld [smem:$0x3FB5]  }
0x39: {  	_ = 	snop;
	(pc) =	sbr.ind lr, $3  }
0x3a: {  	_ = 	snop  }
0x3b: {  	_ = 	snop  }
0x3c: {  	p2 =	seq.s32 s10, $0x1;
	s10 =	sld [smem:$0x3FB4]  }
0x3d: {  	_ =	shalt  }
0x3e: {  	_ =	shalt  }
0x3f: {  	_ =	shalt  }
0x40: {  	_ =	shalt  }
0x41: {  	_ =	shalt  }
0x42: {  	_ =	shalt  }
0x43: {  	_ =	shalt  }
0x44: {  	_ =	shalt  }
0x45: {  	_ =	shalt  }
0x46: {  	_ =	shalt  }
0x47: {  	_ =	shalt  }
0x48: {  	_ =	shalt  }
0x49: {  	_ =	shalt  }
0x4a: {  	_ =	shalt  }
0x4b: {  	_ =	shalt  }
0x4c: {  	_ =	shalt  }
0x4d: {  	_ =	shalt  }
0x4e: {  	_ =	shalt  }
0x4f: {  	_ =	shalt  }
0x50: {  	_ =	shalt  }
0x51: {  	_ =	shalt  }
0x52: {  	_ =	shalt  }
0x53: {  	_ =	shalt  }
0x54: {  	_ =	shalt  }
0x55: {  	_ =	shalt  }
0x56: {  	_ =	shalt  }
0x57: {  	_ =	shalt  }
0x58: {  	_ =	shalt  }
0x59: {  	_ =	shalt  }
0x5a: {  	_ =	shalt  }
0x5b: {  	_ =	shalt  }
0x5c: {  	_ =	shalt  }
0x5d: {  	_ =	shalt  }
0x5e: {  	_ =	shalt  }
0x5f: {  	_ =	shalt  }
0x60: {  	_ =	shalt  }
0x61: {  	_ =	shalt  }
0x62: {  	_ =	shalt  }
0x63: {  	_ =	shalt  }
0x64: {  	_ =	shalt  }
0x65: {  	_ =	shalt  }
0x66: {  	_ =	shalt  }
0x67: {  	_ =	shalt  }
0x68: {  	_ =	shalt  }
0x69: {  	_ =	shalt  }
0x6a: {  	_ =	shalt  }
0x6b: {  	_ =	shalt  }
0x6c: {  	_ =	shalt  }
0x6d: {  	_ =	shalt  }
0x6e: {  	_ =	shalt  }
0x6f: {  	_ =	shalt  }
0x70: {  	_ =	shalt  }
0x71: {  	_ =	shalt  }
0x72: {  	_ =	shalt  }
0x73: {  	_ =	shalt  }
0x74: {  	_ =	shalt  }
0x75: {  	_ =	shalt  }
0x76: {  	_ =	shalt  }
0x77: {  	_ =	shalt  }
0x78: {  	_ =	shalt  }
0x79: {  	_ =	shalt  }
0x7a: {  	_ =	shalt  }
0x7b: {  	_ =	shalt  }
0x7c: {  	_ =	shalt  }
0x7d: {  	_ =	shalt  }
0x7e: {  	_ =	shalt  }
0x7f: {  	_ =	shalt  }
0x80: {  	_ =	shalt  }
0x81: {  	_ =	shalt  }
0x82: {  	_ =	shalt  }
0x83: {  	_ =	shalt  }
0x84: {  	_ =	shalt  }
0x85: {  	_ =	shalt  }
0x86: {  	_ =	shalt  }
0x87: {  	_ =	shalt  }
.Lfunc_end0:
.L_simem_size_0:
called_computation.1_lowered:
.L_overlay_start_0:
0x88: {  	s2 =	sld [smem:$0x3FD9]  }
0x89: {  	s3 =	sld [smem:$0x3FFE];
	_ =	sdelay $0x1  }
0x8a: {  	s1 =	srdreg.scid  }
0x8b: {  	s0 =	sand.u32 $0x1, s1  }
0x8c: {  	s14 =	sshll.u32 s0, $0xA;
	s2 =	sadd.s32 s3, s2  }
0x8d: {  	s2 =	sadd.s32 s2, s14  }
0x8e: {  	[smem:$0x3FC0] =	sst s2  }
0x8f: {  	_ = 	snop  }
0x90: {  	s2 =	sld [smem:$0x3FD0];
	_ =	sdelay $0x2  }
0x91: {  	s15 =	simm.s32 $0xA;
	s4 =	simm.s32 $0x10  }
0x92: {  	[smem:s4], [sflag:s15] =	dma.local [hbm:s2], $0x1  }
0x93: {  	_ =	swait.eq [sflag:s15], $0x1  }
0x94: {  	[sflag:s15] =	ssyncset.done $0x0  }
0x95: {  	[sflag:s15] =	ssyncadd.s32 $0xFFFFFFFF  }
0x96: {  	s16 =	sld [smem:$0x10];
	(tm) =	ssettm $0x1  }
0x97: {  	s17 =	sld [smem:$0x3FFB];
	_ =	sdelay $0x3  }
0x98: {  	_ =	strace s17  }
0x99: {  	s3 =	sld [smem:$0x3FFC];
	_ =	sdelay $0x3  }
0x9a: {  	_ =	strace s3  }
0x9b: {  	s3 =	sld [smem:$0x3FFD];
	_ =	sdelay $0x3  }
0x9c: {  	_ =	strace s3  }
0x9d: {  	_ =	strace $0x8FFFFFFF  }
0x9e: {  	s18 =	sld [smem:$0x3FDB];
	_ =	sdelay $0x1  }
0x9f: {  	s19 =	simm.s32 $_scs_section_size  }
0xa0: {  	s5 =	simm.s32 $_size__tile_overlayer_lowered;
	s6 =	simm.s32 $_tile_overlayer_lowered  }
0xa1: {  	s22 =	simm.s32 $0x1BFF;
	s21 =	sshll.u32 s6, $0x1;
	s3 =	sadd.s32 s19, s18  }
0xa2: {  	s7 =	simm.s32 $0x0;
	s20 =	sshll.u32 s5, $0x1;
	s5 =	sadd.s32 s21, s3  }
0xa3: {  	[timem:s7], [sflag:s22] =	dma.local [hbm:s5], s20  }
0xa4: {  	_ =	swait.ge [sflag:s22], s20  }
0xa5: {  	s4 =	ssub.s32 $0x0, s20;
	[sflag:s22] =	ssyncset.done $0x0  }
0xa6: {  	[sflag:s22] =	ssyncadd.s32 s4;
	_ =	sdelay $0x1  }
0xa7: {  	s23 =	simm.s32 $0x1B8B  }
0xa8: {  	_ =	swait.ge [sflag:s23], $0x1  }
0xa9: {  	[sflag:s23] =	ssyncset.done $0x0  }
0xaa: {  	s25 =	simm.s32 $0x1B8E;
	s24 =	sld [smem:$0x3FFE];
	[sflag:s23] =	ssyncadd.s32 $0xFFFFFFFF  }
0xab: {  	s26 =	simm.s32 $execute0_lowered;
	[smem:$0x3FD2] =	sst s25  }
0xac: {  	s5 =	sshll.u32 s26, $0x1;
	_ =	strace $0x80000049;
	[dreg:$0x1] =	wrdreg $0xFFFFFFFF  }
0xad: {  	s28 =	simm.s32 $_size_execute0_lowered;
	s3 =	sadd.s32 s3, s5;
	[dreg:$0x0] =	wrdreg $0x0  }
0xae: {  	s5 =	sshll.u32 s28, $0x1;
	[dreg:$0x2] =	wrdreg s3  }
0xaf: {  	[dreg:$0x3] =	wrdreg s5  }
0xb0: {  	[dreg:$0x4] =	wrdreg $0xC0  }
0xb1: {  	_ =	task [dreg:s7], $0x5FFFF  }
0xb2: {  	[dreg:$0x1] =	wrdreg $0xFFFFFFFF  }
0xb3: {  	[dreg:$0x0] =	wrdreg $0x60  }
0xb4: {  	[dreg:$0x2] =	wrdreg s24  }
0xb5: {  	[dreg:$0x3] =	wrdreg s16  }
0xb6: {  	[dreg:$0x4] =	wrdreg $0x9  }
0xb7: {  	_ =	task.clear_ibuf [dreg:s7], $0x5FFFF;
	_ =	strace $0x90000049  }
0xb8: {  	s29 =	simm.s32 $0x9;
	_ =	strace $0x8000004B  }
0xb9: {  	_ =	swait.ge [sflag:s29], $0x1  }
0xba: {  	[sflag:s29] =	ssyncadd.s32 $0xFFFFFFFF  }
0xbb: {  	_ =	strace $0x9000004B  }
0xbc: {  	_ =	sfence  }
0xbd: {  	s30 =	sld [smem:$0x0];
	_ =	sdelay $0x2  }
0xbe: {  	s31 =	sshll.u32 s1, $0xD;
	s1 =	sshrl.u32 s1, $0x2  }
0xbf: {  	s3 =	sand.u32 $0x4000, s31;
	s1 =	sadd.s32 s1, s30  }
0xc0: {  	s0 =	sor.u32 s3, s0;
	s1 =	sshll.u32 s1, $0x11  }
0xc1: {  	s0 =	sor.u32 s1, s0  }
0xc2: {  	s0 =	sadd.s32 $0x8F2B, s0  }
0xc3: {  	[sflag:s0] =	ssyncadd.remote.s32 $0x1  }
0xc4: {  	_ =	sfence.sel $0xFFFF  }
0xc5: {  	[dreg:$0x0] =	wrdreg $0xFFFFFFFF;
	(pc) =	sbr.abs _section_cstart, $3  }
0xc6: {  	[dreg:$0x1] =	wrdreg $0xFFFFFFFF  }
0xc7: {  	_ =	task.clear_ibuf [dreg:s7], $0x2FFFF;
	_ =	strace $0x9FFFFFFF  }
0xc8: {  	(tm) =	ssettm $0x7FFFFFFF  }
0xc9: {  	_ =	shalt  }
tec
execute0_lowered:
.L_overlay_start_1:
0x0: {  	(tag) =	ssettag $0x1  }
0x1: {  	s0 =	rddreg [dreg:$0x0]  }
0x2: {  	s1 =	rddreg [dreg:$0x1];
	s2 =	simm.s32 $0x0  }
0x3: {  	s4 =	srdreg.scid;
	s10 =	stileid.u32;
	s13 =	simm.s32 $0x2  }
0x4: {  	s14 =	simm.s32 $0x80;
	s15 =	simm.s32 $0x880;
	s16 =	simm.s32 $0x1080  }
0x5: {  	s17 =	simm.s32 $0x1880;
	s18 =	simm.s32 $0x2080;
	s19 =	simm.s32 $0x2880  }
0x6: {  	s20 =	simm.s32 $0x3080;
	s21 =	simm.s32 $0x3880;
	s22 =	simm.s32 $0x4080  }
0x7: {  	s23 =	simm.s32 $0x4880;
	s24 =	simm.s32 $0x5080;
	s28 =	simm.s32 $0x6880  }
0x8: {  	s29 =	simm.s32 $0x7080;
	s30 =	simm.s32 $0x7880;
	s31 =	simm.s32 $0x1  }
0x9: {  	[smem:$0x7FF] =	sst s2;
	s3 =	sadd.s32 $0xC0800, s0;
	s4 =	sand.u32 $0x1, s4  }
0xa: {  	s5 =	sadd.s32 $0x400, s0;
	s6 =	sadd.s32 $0x600, s0;
	s7 =	sadd.s32 $0x800, s0  }
0xb: {  	s25 =	sshll.u32 s10, $0x7;
	s10 =	sadd.s32 $0xC0A00, s0;
	s8 =	ssub.s32 $0x2, s4  }
0xc: {  	s11 =	sadd.s32 $0xC0B00, s0;
	s4 =	sshll.u32 s4, $0x6;
	s9 =	sshrl.u32 s8, $0x1  }
0xd: {  	v2 =	vlaneseq.u32;
	_ =	strace $0x8000004A;
	s12 =	ssub.s32 s8, s9;
	s8 =	sor.u32 s4, s25  }
0xe: {  	vm0 =	vmmov $0xffff;
	v1 =	vshrl.u32 v2, $0x3;
	s9 =	sadd.s32 $0xC0900, s0;
	s25 =	simm.s32 $0x5880;
	s26 =	smax.u32 s12, $0x1  }
0xf: {  	v0 =	vand.u32 $0x7, v2;
	v2 =	vor.u32 $0x8, v2;
	v1 =	vmul.u32 $0x8, v1;
	s4 =	simm.s32 $0x0;
	[dreg:$0x3] =	wrdreg s26;
	s26 =	simm.s32 $0x6080  }
.LBB2_1:
0x10: {  	[dreg:$0x4] =	wrdreg s4;
	p0 =	por $0x1, $0x1;
	s4 =	simm.s32 $0x0  }
.LBB2_2:
0x11: {  	s4 =	sor.u32 s8, s4  }
0x12: {  	s12 =	sshrl.u32 s4, $0x3  }
0x13: {  	s0 =	sadd.s32 s5, s12  }
0x14: {  	[tilespmem:s2], [sflag:$0x2] =	stream.linear.gather [hbm4b:s0+s2], $0x20, $0x38;
	[tilespmem:$0x8080] =	vst v63  }
0x15: {  	_ =	swait.ge [sflag:s13], $0x20  }
0x16: {  	[sflag:s13] =	ssyncset.done $0x0  }
0x17: {  	[sflag:s13] =	ssyncadd.s32 $0xFFFFFFE0  }
0x18: {  	v3 =	vld [tilespmem:$0x0];
	_ =	sdelay $0x4  }
0x19: {  	v4 =	vshll.u32 v3, $0x3  }
0x1a: {  	v3 =	vand.u32 $0x7, v3;
	v4 =	vand.u32 $0xFFFFFFC0, v4  }
0x1b: {  	v3 =	vor.u32 v3, v4  }
0x1c: {  	v4 =	vperm.xlane v3, v0;
	_ =	sdelay $0x1  }
0x1d: {  	v4 =	vadd.s32 v1, v4;
	_ =	sdelay $0x4  }
0x1e: {  	[tilespmem:s14], [sflag:$0x1] =	stream.indirect_vreg.gather [hbm4b:s3+s2], $0x80, v4, vm0, $0xb8;
	[tilespmem:$0x8080] =	vst v63  }
0x1f: {  	v3 =	vperm.xlane v3, v2  }
0x20: {  	[tilespmem:s15], [sflag:$0x1] =	stream.indirect_vreg.gather [hbm4b:s9+s2], $0x80, v4, vm0, $0xb8;
	[tilespmem:$0x8080] =	vst v63  }
0x21: {  	v3 =	vadd.s32 v1, v3  }
0x22: {  	[tilespmem:s16], [sflag:$0x1] =	stream.indirect_vreg.gather [hbm4b:s10+s2], $0x80, v4, vm0, $0xb8;
	[tilespmem:$0x8080] =	vst v63  }
0x23: {  	_ = 	snop  }
0x24: {  	[tilespmem:s17], [sflag:$0x1] =	stream.indirect_vreg.gather [hbm4b:s11+s2], $0x80, v4, vm0, $0xb8;
	[tilespmem:$0x8080] =	vst v63  }
0x25: {  	_ = 	snop  }
0x26: {  	[tilespmem:s18], [sflag:$0x1] =	stream.indirect_vreg.gather [hbm4b:s3+s2], $0x80, v3, vm0, $0xb8;
	[tilespmem:$0x8080] =	vst v63  }
0x27: {  	_ = 	snop  }
0x28: {  	[tilespmem:s19], [sflag:$0x1] =	stream.indirect_vreg.gather [hbm4b:s9+s2], $0x80, v3, vm0, $0xb8;
	[tilespmem:$0x8080] =	vst v63  }
0x29: {  	_ = 	snop  }
0x2a: {  	[tilespmem:s20], [sflag:$0x1] =	stream.indirect_vreg.gather [hbm4b:s10+s2], $0x80, v3, vm0, $0xb8;
	[tilespmem:$0x8080] =	vst v63  }
0x2b: {  	_ = 	snop  }
0x2c: {  	[tilespmem:s21], [sflag:$0x1] =	stream.indirect_vreg.gather [hbm4b:s11+s2], $0x80, v3, vm0, $0xb8;
	[tilespmem:$0x8080] =	vst v63  }
0x2d: {  	v3 =	vld [tilespmem:$0x10];
	_ =	sdelay $0x4  }
0x2e: {  	v61 =	vshll.u32 v3, $0x3  }
0x2f: {  	v3 =	vand.u32 $0x7, v3;
	v4 =	vand.u32 $0xFFFFFFC0, v61  }
0x30: {  	v3 =	vor.u32 v3, v4  }
0x31: {  	v4 =	vperm.xlane v3, v0;
	_ =	sdelay $0x1  }
0x32: {  	v4 =	vadd.s32 v1, v4;
	_ =	sdelay $0x4  }
0x33: {  	[tilespmem:s22], [sflag:$0x1] =	stream.indirect_vreg.gather [hbm4b:s3+s2], $0x80, v4, vm0, $0xb8;
	[tilespmem:$0x8080] =	vst v63  }
0x34: {  	v3 =	vperm.xlane v3, v2  }
0x35: {  	[tilespmem:s23], [sflag:$0x1] =	stream.indirect_vreg.gather [hbm4b:s9+s2], $0x80, v4, vm0, $0xb8;
	[tilespmem:$0x8080] =	vst v63  }
0x36: {  	v3 =	vadd.s32 v1, v3  }
0x37: {  	[tilespmem:s24], [sflag:$0x1] =	stream.indirect_vreg.gather [hbm4b:s10+s2], $0x80, v4, vm0, $0xb8;
	[tilespmem:$0x8080] =	vst v63  }
0x38: {  	_ = 	snop  }
0x39: {  	[tilespmem:s25], [sflag:$0x1] =	stream.indirect_vreg.gather [hbm4b:s11+s2], $0x80, v4, vm0, $0xb8;
	[tilespmem:$0x8080] =	vst v63  }
0x3a: {  	_ = 	snop  }
0x3b: {  	[tilespmem:s26], [sflag:$0x1] =	stream.indirect_vreg.gather [hbm4b:s3+s2], $0x80, v3, vm0, $0xb8;
	[tilespmem:$0x8080] =	vst v63  }
0x3c: {  	_ = 	snop  }
0x3d: {  	[tilespmem:s28], [sflag:$0x1] =	stream.indirect_vreg.gather [hbm4b:s9+s2], $0x80, v3, vm0, $0xb8;
	[tilespmem:$0x8080] =	vst v63  }
0x3e: {  	_ = 	snop  }
0x3f: {  	[tilespmem:s29], [sflag:$0x1] =	stream.indirect_vreg.gather [hbm4b:s10+s2], $0x80, v3, vm0, $0xb8;
	[tilespmem:$0x8080] =	vst v63  }
0x40: {  	_ = 	snop  }
0x41: {  	[tilespmem:s30], [sflag:$0x1] =	stream.indirect_vreg.gather [hbm4b:s11+s2], $0x80, v3, vm0, $0xb8;
	[tilespmem:$0x8080] =	vst v63  }
0x42: {  	_ =	swait.ge [sflag:s31], $0x8000  }
0x43: {  	s0 =	sshll.u32 s4, $0x7;
	[sflag:s31] =	ssyncset.done $0x0  }
0x44: {  	s4 =	sadd.s32 s1, s0;
	[sflag:s31] =	ssyncadd.s32 $0xFFFF8000  }
0x45: {  	[hbm4b:s4+s2] =	stream.linear.scatter [tilespmem:s14], [sflag:$0x2], $0x8000, $0x38;
	[tilespmem:$0x8080] =	vst v63  }
0x46: {  	_ =	swait.ge [sflag:s13], $0x8000  }
0x47: {  	[sflag:s13] =	ssyncset.done $0x0  }
0x48: {  	s12 =	sadd.s32 s6, s12;
	[sflag:s13] =	ssyncadd.s32 $0xFFFF8000  }
0x49: {  	[tilespmem:s2], [sflag:$0x2] =	stream.linear.gather [hbm4b:s12+s2], $0x20, $0x38;
	[tilespmem:$0x8080] =	vst v63  }
0x4a: {  	_ =	swait.ge [sflag:s13], $0x20  }
0x4b: {  	[sflag:s13] =	ssyncset.done $0x0  }
0x4c: {  	[sflag:s13] =	ssyncadd.s32 $0xFFFFFFE0  }
0x4d: {  	v3 =	vld [tilespmem:$0x0];
	_ =	sdelay $0x4  }
0x4e: {  	v62 =	vshll.u32 v3, $0x3  }
0x4f: {  	v3 =	vand.u32 $0x7, v3;
	v4 =	vand.u32 $0xFFFFFFC0, v62  }
0x50: {  	v3 =	vor.u32 v3, v4  }
0x51: {  	v4 =	vperm.xlane v3, v0;
	_ =	sdelay $0x1  }
0x52: {  	v4 =	vadd.s32 v1, v4;
	_ =	sdelay $0x4  }
0x53: {  	[tilespmem:s14], [sflag:$0x1] =	stream.indirect_vreg.gather [hbm4b:s3+s2], $0x80, v4, vm0, $0xb8;
	[tilespmem:$0x8080] =	vst v63  }
0x54: {  	v3 =	vperm.xlane v3, v2  }
0x55: {  	[tilespmem:s15], [sflag:$0x1] =	stream.indirect_vreg.gather [hbm4b:s9+s2], $0x80, v4, vm0, $0xb8;
	[tilespmem:$0x8080] =	vst v63  }
0x56: {  	v3 =	vadd.s32 v1, v3  }
0x57: {  	[tilespmem:s16], [sflag:$0x1] =	stream.indirect_vreg.gather [hbm4b:s10+s2], $0x80, v4, vm0, $0xb8;
	[tilespmem:$0x8080] =	vst v63  }
0x58: {  	_ = 	snop  }
0x59: {  	[tilespmem:s17], [sflag:$0x1] =	stream.indirect_vreg.gather [hbm4b:s11+s2], $0x80, v4, vm0, $0xb8;
	[tilespmem:$0x8080] =	vst v63  }
0x5a: {  	_ = 	snop  }
0x5b: {  	[tilespmem:s18], [sflag:$0x1] =	stream.indirect_vreg.gather [hbm4b:s3+s2], $0x80, v3, vm0, $0xb8;
	[tilespmem:$0x8080] =	vst v63  }
0x5c: {  	_ = 	snop  }
0x5d: {  	[tilespmem:s19], [sflag:$0x1] =	stream.indirect_vreg.gather [hbm4b:s9+s2], $0x80, v3, vm0, $0xb8;
	[tilespmem:$0x8080] =	vst v63  }
0x5e: {  	_ = 	snop  }
0x5f: {  	[tilespmem:s20], [sflag:$0x1] =	stream.indirect_vreg.gather [hbm4b:s10+s2], $0x80, v3, vm0, $0xb8;
	[tilespmem:$0x8080] =	vst v63  }
0x60: {  	_ = 	snop  }
0x61: {  	[tilespmem:s21], [sflag:$0x1] =	stream.indirect_vreg.gather [hbm4b:s11+s2], $0x80, v3, vm0, $0xb8;
	[tilespmem:$0x8080] =	vst v63  }
0x62: {  	v3 =	vld [tilespmem:$0x10];
	_ =	sdelay $0x4  }
0x63: {  	v63 =	vshll.u32 v3, $0x3  }
0x64: {  	v3 =	vand.u32 $0x7, v3;
	v4 =	vand.u32 $0xFFFFFFC0, v63  }
0x65: {  	v3 =	vor.u32 v3, v4  }
0x66: {  	v4 =	vperm.xlane v3, v0;
	_ =	sdelay $0x1  }
0x67: {  	v4 =	vadd.s32 v1, v4;
	_ =	sdelay $0x4  }
0x68: {  	[tilespmem:s22], [sflag:$0x1] =	stream.indirect_vreg.gather [hbm4b:s3+s2], $0x80, v4, vm0, $0xb8;
	[tilespmem:$0x8080] =	vst v63  }
0x69: {  	v3 =	vperm.xlane v3, v2  }
0x6a: {  	[tilespmem:s23], [sflag:$0x1] =	stream.indirect_vreg.gather [hbm4b:s9+s2], $0x80, v4, vm0, $0xb8;
	[tilespmem:$0x8080] =	vst v63  }
0x6b: {  	v3 =	vadd.s32 v1, v3  }
0x6c: {  	[tilespmem:s24], [sflag:$0x1] =	stream.indirect_vreg.gather [hbm4b:s10+s2], $0x80, v4, vm0, $0xb8;
	[tilespmem:$0x8080] =	vst v63  }
0x6d: {  	_ = 	snop  }
0x6e: {  	[tilespmem:s25], [sflag:$0x1] =	stream.indirect_vreg.gather [hbm4b:s11+s2], $0x80, v4, vm0, $0xb8;
	[tilespmem:$0x8080] =	vst v63  }
0x6f: {  	_ = 	snop  }
0x70: {  	[tilespmem:s26], [sflag:$0x1] =	stream.indirect_vreg.gather [hbm4b:s3+s2], $0x80, v3, vm0, $0xb8;
	[tilespmem:$0x8080] =	vst v63  }
0x71: {  	_ = 	snop  }
0x72: {  	[tilespmem:s28], [sflag:$0x1] =	stream.indirect_vreg.gather [hbm4b:s9+s2], $0x80, v3, vm0, $0xb8;
	[tilespmem:$0x8080] =	vst v63  }
0x73: {  	_ = 	snop  }
0x74: {  	[tilespmem:s29], [sflag:$0x1] =	stream.indirect_vreg.gather [hbm4b:s10+s2], $0x80, v3, vm0, $0xb8;
	[tilespmem:$0x8080] =	vst v63  }
0x75: {  	_ = 	snop  }
0x76: {  	[tilespmem:s30], [sflag:$0x1] =	stream.indirect_vreg.gather [hbm4b:s11+s2], $0x80, v3, vm0, $0xb8;
	[tilespmem:$0x8080] =	vst v63  }
0x77: {  	_ =	swait.ge [sflag:s31], $0x8000  }
0x78: {  	p1 =	por p0, p0;
	[sflag:s31] =	ssyncset.done $0x0  }
.Ltmp0:
0x79: {  	s0 =	sadd.s32 s7, s0;
	[sflag:s31] =	ssyncadd.s32 $0xFFFF8000;
	(pc) =	sbr.rel @p1 .LBB2_2-.Ltmp0, $4  }
0x7a: {  	[hbm4b:s0+s2] =	stream.linear.scatter [tilespmem:s14], [sflag:$0x2], $0x8000, $0x38;
	[tilespmem:$0x8080] =	vst v63  }
0x7b: {  	_ =	swait.ge [sflag:s13], $0x8000  }
0x7c: {  	[sflag:s13] =	ssyncset.done $0x0  }
0x7d: {  	p0 =	por $0x0, $0x0;
	s4 =	simm.s32 $0x20;
	[sflag:s13] =	ssyncadd.s32 $0xFFFF8000  }
0x7e: {  	s4 =	rddreg [dreg:$0x4]  }
0x7f: {  	s0 =	rddreg [dreg:$0x3];
	s4 =	sadd.s32 $0x1, s4  }
0x80: {  	p0 =	sne.s32 s4, s0  }
.Ltmp1:
0x81: {  	_ = 	snop;
	(pc) =	sbr.rel @p0 .LBB2_1-.Ltmp1, $1  }
0x82: {  	_ =	sdelay $0x3  }
0x83: {  	_ =	sfence.sel $0x180000  }
0x84: {  	[bflag:$0x0] =	sbarrier.arrive $0xFFFF  }
0x85: {  	_ =	strace $0x9000004A  }
0x86: {  	s0 =	stileid.u32;
	[bflag:$0x2] =	sbarrier.arrive $0xFFFF  }
0x87: {  	p0 =	sne.s32 s0, $0x0;
	s0 =	rddreg [dreg:$0x2]  }
0x88: {  	s0 =	sadd.s32 @!p0 $0x100000, s0  }
0x89: {  	[sflag:s0] =	ssyncadd.tile.s32 @!p0 $0x1;
	_ =	shalt  }
.Lfunc_end2:
_tile_overlayer_lowered:
.L_overlay_start_2:
0x8a: {  	(tag) =	ssettag $0x2  }
0x8b: {  	s0 =	rddreg [dreg:$0x0];
	s2 =	stileid.u32  }
0x8c: {  	s1 =	rddreg [dreg:$0x1];
	p0 =	sne.s32 s2, $0x0  }
0x8d: {  	s3 =	rddreg [dreg:$0x2];
	[bflag:$0x3] =	sbarrier.arrive $0xFFFF;
	s2 =	simm.s32 @!p0 $0x1C02  }
0x8e: {  	[timem:s3], [sflag:s2] =	dma.local @!p0 [hbm:s0], s1  }
0x8f: {  	s0 =	simm.s32 @!p0 $0x2  }
0x90: {  	_ =	swait.ge @!p0 [sflag:s0], s1  }
0x91: {  	s1 =	ssub.s32 @!p0 $0x0, s1;
	[sflag:s0] =	ssyncset.done @!p0 $0x0  }
0x92: {  	[sflag:s0] =	ssyncadd.s32 @!p0 s1  }
0x93: {  	[bflag:$0x3] =	sbarrier.arrive $0xFFFF  }
0x94: {  	_ =	shalt  }

// kernel: kernel.8.cloned.1.call-start
scs
__scs_entry_jumppad:
0x0: {  	(pc) =	sbr.rel $0x88, $3  }
0x1: {  	(tag) =	ssettag $0x0;
	lr =	simm.s32 $0x1  }
0x2: {  	[smem:$0x3F99] =	sst lr;
	_ =	strace $0xD0000000  }
0x3: {  	_ = 	snop  }
0x4: {  	_ = 	snop  }
0x5: {  	_ = 	snop  }
0x6: {  	_ = 	snop  }
0x7: {  	_ = 	snop  }
__scs_overlays_trampoline_lowered:
0x8: {  	[smem:$0x3FA8] =	sst s0  }
0x9: {  	[smem:$0x3FA9] =	sst s1  }
0xa: {  	[smem:$0x3FAA] =	sst s2  }
0xb: {  	[smem:$0x3FAB] =	sst s3  }
0xc: {  	[smem:$0x3FAC] =	sst s4  }
0xd: {  	[smem:$0x3FAD] =	sst s5  }
0xe: {  	[smem:$0x3FAE] =	sst s6  }
0xf: {  	[smem:$0x3FAF] =	sst s7  }
0x10: {  	[smem:$0x3FB0] =	sst s8  }
0x11: {  	[smem:$0x3FB1] =	sst s9;
	s0 =	simm.s32 @!p0 $0x0  }
0x12: {  	s1 =	sld [smem:$0x3F97];
	s0 =	simm.s32 @p0 $0x1  }
0x13: {  	[smem:$0x3FB2] =	sst s0;
	s0 =	simm.s32 @!p1 $0x0  }
0x14: {  	s2 =	sld [smem:$0x3F96];
	s0 =	simm.s32 @p1 $0x1  }
0x15: {  	[smem:$0x3FB3] =	sst s0;
	s0 =	simm.s32 @!p2 $0x0  }
0x16: {  	s3 =	sld [smem:$0x3FDB];
	s0 =	simm.s32 @p2 $0x1  }
0x17: {  	s4 =	simm.s32 $0x1BF5;
	[smem:$0x3FB5] =	sst s0  }
0x18: {  	s0 =	sld [smem:$0x3F98];
	_ =	swait.ge [sflag:s4], $0x0  }
0x19: {  	s7 =	sld [smem:$0x3F99]  }
0x1a: {  	s8 =	sadd.s32 $0xFFFFE003, lr  }
0x1b: {  	s9 =	sadd.s32 $0xFFFFFEF7, lr;
	s5 =	simm.s32 $0xFFFFFFFF;
	p2 =	slt.u32 s8, $0xFFFFF086  }
0x1c: {  	p1 =	slt.u32 s9, $0xF7A;
	s5 =	simm.s32 @!p2 $0x0  }
0x1d: {  	s5 =	simm.s32 @p1 $0x1;
	p0 =	seq.s32 s7, s2  }
0x1e: {  	s7 =	smul.u32 @!p0 $0xF7A, s2;
	p2 =	seq.s32 @!p0 s5, $0x0  }
0x1f: {  	s9 =	smul.u32 $0xF7A, s1;
	s8 =	simm.s32 @!p0 $0x1BF5;
	p2 =	por !p2, p0  }
0x20: {  	[sflag:s8] =	ssyncset.s32 @!p0 $0xFFFFF086;
	s6 =	sadd.s32 @!p0 s3, s7;
	s7 =	simm.s32 @!p0 $0x108  }
0x21: {  	s3 =	sadd.s32 s3, s9;
	s6 =	sadd.s32 @!p0 $0x88, s6;
	s7 =	simm.s32 @p2 $0x1082  }
0x22: {  	[simem:s7], [sflag:s8] =	dma.local @!p0 [hbm:s6], $0xF7A  }
0x23: {  	s9 =	sor.u32 $0xD0000000, s2;
	s6 =	simm.s32 $0x108;
	_ =	swait.ge @!p0 [sflag:s8], $0x0  }
0x24: {  	s3 =	sadd.s32 $0x88, s3;
	s6 =	simm.s32 @!p1 $0x1082;
	[sflag:s4] =	ssyncset.s32 $0xFFFFF086  }
0x25: {  	[simem:s6], [sflag:s4] =	dma.local [hbm:s3], $0xF7A  }
0x26: {  	[smem:$0x3F99] =	sst s1;
	(tag) =	ssettag s2;
	_ =	strace s9  }
0x27: {  	s1 =	sld [smem:$0x3FA9]  }
0x28: {  	s2 =	sld [smem:$0x3FAA]  }
0x29: {  	s4 =	sld [smem:$0x3FAC]  }
0x2a: {  	p0 =	seq.s32 s5, $0x0;
	s5 =	sld [smem:$0x3FAD]  }
0x2b: {  	s6 =	sld [smem:$0x3FAE]  }
0x2c: {  	s7 =	sld [smem:$0x3FAF]  }
0x2d: {  	s3 =	simm.s32 $0x108;
	s8 =	sld [smem:$0x3FB0]  }
0x2e: {  	s3 =	simm.s32 @!p0 $0x1082;
	s9 =	sld [smem:$0x3FB1]  }
0x2f: {  	lr =	sadd.s32 s0, s3;
	s0 =	sld [smem:$0x3FA8]  }
0x30: {  	s3 =	sld [smem:$0x3FAB]  }
0x31: {  	[smem:$0x3FB4] =	sst s10  }
0x32: {  	s10 =	sld [smem:$0x3FB2];
	_ =	sdelay $0x3  }
0x33: {  	p0 =	seq.s32 s10, $0x1;
	s10 =	sld [smem:$0x3FB4];
	_ =	sdelay $0x3  }
0x34: {  	[smem:$0x3FB4] =	sst s10  }
0x35: {  	s10 =	sld [smem:$0x3FB3];
	_ =	sdelay $0x3  }
0x36: {  	p1 =	seq.s32 s10, $0x1;
	s10 =	sld [smem:$0x3FB4];
	_ =	sdelay $0x3  }
0x37: {  	[smem:$0x3FB4] =	sst s10  }
0x38: {  	s10 =	sld [smem:$0x3FB5]  }
0x39: {  	_ = 	snop;
	(pc) =	sbr.ind lr, $3  }
0x3a: {  	_ = 	snop  }
0x3b: {  	_ = 	snop  }
0x3c: {  	p2 =	seq.s32 s10, $0x1;
	s10 =	sld [smem:$0x3FB4]  }
0x3d: {  	_ =	shalt  }
0x3e: {  	_ =	shalt  }
0x3f: {  	_ =	shalt  }
0x40: {  	_ =	shalt  }
0x41: {  	_ =	shalt  }
0x42: {  	_ =	shalt  }
0x43: {  	_ =	shalt  }
0x44: {  	_ =	shalt  }
0x45: {  	_ =	shalt  }
0x46: {  	_ =	shalt  }
0x47: {  	_ =	shalt  }
0x48: {  	_ =	shalt  }
0x49: {  	_ =	shalt  }
0x4a: {  	_ =	shalt  }
0x4b: {  	_ =	shalt  }
0x4c: {  	_ =	shalt  }
0x4d: {  	_ =	shalt  }
0x4e: {  	_ =	shalt  }
0x4f: {  	_ =	shalt  }
0x50: {  	_ =	shalt  }
0x51: {  	_ =	shalt  }
0x52: {  	_ =	shalt  }
0x53: {  	_ =	shalt  }
0x54: {  	_ =	shalt  }
0x55: {  	_ =	shalt  }
0x56: {  	_ =	shalt  }
0x57: {  	_ =	shalt  }
0x58: {  	_ =	shalt  }
0x59: {  	_ =	shalt  }
0x5a: {  	_ =	shalt  }
0x5b: {  	_ =	shalt  }
0x5c: {  	_ =	shalt  }
0x5d: {  	_ =	shalt  }
0x5e: {  	_ =	shalt  }
0x5f: {  	_ =	shalt  }
0x60: {  	_ =	shalt  }
0x61: {  	_ =	shalt  }
0x62: {  	_ =	shalt  }
0x63: {  	_ =	shalt  }
0x64: {  	_ =	shalt  }
0x65: {  	_ =	shalt  }
0x66: {  	_ =	shalt  }
0x67: {  	_ =	shalt  }
0x68: {  	_ =	shalt  }
0x69: {  	_ =	shalt  }
0x6a: {  	_ =	shalt  }
0x6b: {  	_ =	shalt  }
0x6c: {  	_ =	shalt  }
0x6d: {  	_ =	shalt  }
0x6e: {  	_ =	shalt  }
0x6f: {  	_ =	shalt  }
0x70: {  	_ =	shalt  }
0x71: {  	_ =	shalt  }
0x72: {  	_ =	shalt  }
0x73: {  	_ =	shalt  }
0x74: {  	_ =	shalt  }
0x75: {  	_ =	shalt  }
0x76: {  	_ =	shalt  }
0x77: {  	_ =	shalt  }
0x78: {  	_ =	shalt  }
0x79: {  	_ =	shalt  }
0x7a: {  	_ =	shalt  }
0x7b: {  	_ =	shalt  }
0x7c: {  	_ =	shalt  }
0x7d: {  	_ =	shalt  }
0x7e: {  	_ =	shalt  }
0x7f: {  	_ =	shalt  }
0x80: {  	_ =	shalt  }
0x81: {  	_ =	shalt  }
0x82: {  	_ =	shalt  }
0x83: {  	_ =	shalt  }
0x84: {  	_ =	shalt  }
0x85: {  	_ =	shalt  }
0x86: {  	_ =	shalt  }
0x87: {  	_ =	shalt  }
.Lfunc_end0:
.L_simem_size_0:
called_computation_lowered:
.L_overlay_start_0:
0x88: {  	s2 =	sld [smem:$0x3FD9]  }
0x89: {  	s3 =	sld [smem:$0x3FFE];
	_ =	sdelay $0x1  }
0x8a: {  	s1 =	srdreg.scid  }
0x8b: {  	s0 =	sand.u32 $0x1, s1  }
0x8c: {  	s17 =	sshll.u32 s0, $0xA;
	s2 =	sadd.s32 s3, s2  }
0x8d: {  	s2 =	sadd.s32 s2, s17  }
0x8e: {  	[smem:$0x3FC0] =	sst s2  }
0x8f: {  	_ = 	snop  }
0x90: {  	s2 =	sld [smem:$0x3FC9];
	(tm) =	ssettm $0x1  }
0x91: {  	s18 =	sld [smem:$0x3FFB];
	_ =	sdelay $0x3  }
0x92: {  	_ =	strace s18  }
0x93: {  	s3 =	sld [smem:$0x3FFC];
	_ =	sdelay $0x3  }
0x94: {  	_ =	strace s3  }
0x95: {  	s3 =	sld [smem:$0x3FFD];
	_ =	sdelay $0x3  }
0x96: {  	_ =	strace s3  }
0x97: {  	_ =	strace $0x8FFFFFFF  }
0x98: {  	s19 =	sld [smem:$0x3FDB];
	_ =	sdelay $0x1  }
0x99: {  	s4 =	simm.s32 $_scs_section_size  }
0x9a: {  	s5 =	simm.s32 $_size__tile_overlayer_lowered;
	s6 =	simm.s32 $_tile_overlayer_lowered  }
0x9b: {  	s22 =	simm.s32 $0x1BFF;
	s21 =	sshll.u32 s6, $0x1;
	s3 =	sadd.s32 s4, s19  }
0x9c: {  	s7 =	simm.s32 $0x0;
	s20 =	sshll.u32 s5, $0x1;
	s5 =	sadd.s32 s21, s3  }
0x9d: {  	[timem:s7], [sflag:s22] =	dma.local [hbm:s5], s20  }
0x9e: {  	_ =	swait.ge [sflag:s22], s20  }
0x9f: {  	s4 =	ssub.s32 $0x0, s20;
	[sflag:s22] =	ssyncset.done $0x0  }
0xa0: {  	[sflag:s22] =	ssyncadd.s32 s4;
	_ =	sdelay $0x1  }
0xa1: {  	s23 =	simm.s32 $0x1B8B  }
0xa2: {  	_ =	swait.ge [sflag:s23], $0x1  }
0xa3: {  	[sflag:s23] =	ssyncset.done $0x0  }
0xa4: {  	s25 =	simm.s32 $0x1B8E;
	s24 =	sld [smem:$0x3FFE];
	[sflag:s23] =	ssyncadd.s32 $0xFFFFFFFF  }
0xa5: {  	s26 =	simm.s32 $execute0_lowered;
	[smem:$0x3FD2] =	sst s25  }
0xa6: {  	s5 =	sshll.u32 s26, $0x1;
	_ =	strace $0x80000046;
	[dreg:$0x1] =	wrdreg $0xFFFFFFFF  }
0xa7: {  	s28 =	simm.s32 $_size_execute0_lowered;
	s3 =	sadd.s32 s3, s5;
	[dreg:$0x0] =	wrdreg $0x0  }
0xa8: {  	s5 =	sshll.u32 s28, $0x1;
	[dreg:$0x2] =	wrdreg s3  }
0xa9: {  	[dreg:$0x3] =	wrdreg s5  }
0xaa: {  	[dreg:$0x4] =	wrdreg $0xC0  }
0xab: {  	_ =	task [dreg:s7], $0x5FFFF  }
0xac: {  	[dreg:$0x1] =	wrdreg $0xFFFFFFFF  }
0xad: {  	[dreg:$0x0] =	wrdreg $0x60  }
0xae: {  	[dreg:$0x2] =	wrdreg s2  }
0xaf: {  	[dreg:$0x3] =	wrdreg s24  }
0xb0: {  	[dreg:$0x4] =	wrdreg $0x9  }
0xb1: {  	_ =	task.clear_ibuf [dreg:s7], $0x5FFFF;
	_ =	strace $0x90000046  }
0xb2: {  	s29 =	simm.s32 $0x9;
	_ =	strace $0x80000048  }
0xb3: {  	_ =	swait.ge [sflag:s29], $0x1  }
0xb4: {  	[sflag:s29] =	ssyncadd.s32 $0xFFFFFFFF  }
0xb5: {  	_ =	strace $0x90000048  }
0xb6: {  	_ =	sfence  }
0xb7: {  	s30 =	sld [smem:$0x0];
	_ =	sdelay $0x2  }
0xb8: {  	s31 =	sshll.u32 s1, $0xD;
	s1 =	sshrl.u32 s1, $0x2  }
0xb9: {  	s3 =	sand.u32 $0x4000, s31;
	s1 =	sadd.s32 s1, s30  }
0xba: {  	s0 =	sor.u32 s3, s0;
	s1 =	sshll.u32 s1, $0x11  }
0xbb: {  	s0 =	sor.u32 s1, s0  }
0xbc: {  	s0 =	sadd.s32 $0x8F2B, s0  }
0xbd: {  	[sflag:s0] =	ssyncadd.remote.s32 $0x1  }
0xbe: {  	_ =	sfence.sel $0xFFFF  }
0xbf: {  	[dreg:$0x0] =	wrdreg $0xFFFFFFFF;
	(pc) =	sbr.abs _section_cstart, $3  }
0xc0: {  	[dreg:$0x1] =	wrdreg $0xFFFFFFFF  }
0xc1: {  	_ =	task.clear_ibuf [dreg:s7], $0x2FFFF;
	_ =	strace $0x9FFFFFFF  }
0xc2: {  	(tm) =	ssettm $0x7FFFFFFF  }
0xc3: {  	_ =	shalt  }
tec
execute0_lowered:
.L_overlay_start_1:
0x0: {  	(tag) =	ssettag $0x1  }
0x1: {  	s0 =	rddreg [dreg:$0x0]  }
0x2: {  	s1 =	rddreg [dreg:$0x1]  }
0x3: {  	s2 =	srdreg.scid;
	s3 =	stileid.u32;
	s9 =	simm.s32 $0x2  }
0x4: {  	s26 =	simm.s32 $0x80;
	s21 =	simm.s32 $0x1900;
	s22 =	simm.s32 $0x2100  }
0x5: {  	s28 =	simm.s32 $0x4900;
	s29 =	simm.s32 $0x5100;
	s30 =	simm.s32 $0x5900  }
0x6: {  	s31 =	simm.s32 $0x6100;
	s10 =	simm.s32 $0x7900;
	s11 =	simm.s32 $0x8100  }
0x7: {  	s12 =	simm.s32 $0x8900;
	s13 =	simm.s32 $0x9100;
	s14 =	simm.s32 $0x9900  }
0x8: {  	s15 =	simm.s32 $0xA100;
	s16 =	simm.s32 $0xA900;
	s17 =	simm.s32 $0xB100  }
0x9: {  	s8 =	simm.s32 $0xB900;
	s4 =	sand.u32 $0x1, s2;
	s2 =	simm.s32 $0x0  }
0xa: {  	s3 =	sshll.u32 s3, $0x7;
	s5 =	sshll.u32 s4, $0x6;
	[smem:$0x7FF] =	sst s2  }
0xb: {  	s4 =	ssub.s32 $0x2, s4;
	s3 =	sor.u32 s5, s3;
	_ =	strace $0x80000047  }
0xc: {  	s24 =	sshrl.u32 s4, $0x1;
	[dreg:$0x6] =	wrdreg s26;
	s26 =	simm.s32 $0x4100  }
0xd: {  	s5 =	sshrl.u32 s3, $0x3;
	s6 =	sshll.u32 s3, $0x7;
	s3 =	sadd.s32 $0x800, s1  }
0xe: {  	s7 =	ssub.s32 s4, s24;
	s4 =	sadd.s32 $0x900, s1;
	s24 =	simm.s32 $0x3100  }
0xf: {  	s5 =	sadd.s32 s5, s1;
	s0 =	sadd.s32 s0, s6;
	s6 =	sadd.s32 $0xB00, s1  }
0x10: {  	v2 =	vlaneseq.u32;
	s7 =	smax.u32 s7, $0x1;
	[dreg:$0x3] =	wrdreg s0;
	s23 =	sadd.s32 $0x400, s5  }
0x11: {  	vm0 =	vmmov $0xffff;
	v1 =	vshrl.u32 v2, $0x3;
	s25 =	sadd.s32 $0x600, s5;
	s5 =	sadd.s32 $0xA00, s1;
	[dreg:$0x4] =	wrdreg s23  }
0x12: {  	v0 =	vand.u32 $0x7, v2;
	v2 =	vor.u32 $0x8, v2;
	v1 =	vmul.u32 $0x8, v1;
	[dreg:$0x5] =	wrdreg s25;
	s23 =	simm.s32 $0x2900;
	s25 =	simm.s32 $0x3900  }
.LBB2_1:
0x13: {  	s19 =	rddreg [dreg:$0x3];
	s18 =	simm.s32 $0x100  }
0x14: {  	[tilespmem:s18], [sflag:$0x2] =	stream.linear.gather [hbm4b:s19+s2], $0x10000, $0x38;
	[tilespmem:$0x10100] =	vst v63  }
0x15: {  	_ =	swait.ge [sflag:s9], $0x10000  }
0x16: {  	[sflag:s9] =	ssyncset.done $0x0  }
0x17: {  	s0 =	rddreg [dreg:$0x4];
	[sflag:s9] =	ssyncadd.s32 $0xFFFF0000  }
0x18: {  	[tilespmem:s2], [sflag:$0x2] =	stream.linear.gather [hbm4b:s0+s2], $0x40, $0x38;
	[tilespmem:$0x10100] =	vst v63  }
0x19: {  	_ =	swait.ge [sflag:s9], $0x40  }
0x1a: {  	s1 =	rddreg [dreg:$0x5];
	[sflag:s9] =	ssyncset.done $0x0  }
0x1b: {  	s20 =	rddreg [dreg:$0x6];
	[sflag:s9] =	ssyncadd.s32 $0xFFFFFFC0  }
0x1c: {  	[tilespmem:s20], [sflag:$0x2] =	stream.linear.gather [hbm4b:s1+s2], $0x40, $0x38;
	[tilespmem:$0x10100] =	vst v63  }
0x1d: {  	_ =	swait.ge [sflag:s9], $0x40  }
0x1e: {  	[sflag:s9] =	ssyncset.done $0x0  }
0x1f: {  	[sflag:s9] =	ssyncadd.s32 $0xFFFFFFC0  }
0x20: {  	v3 =	vld [tilespmem:$0x0];
	_ =	sdelay $0x4  }
0x21: {  	v4 =	vshll.u32 v3, $0x3  }
0x22: {  	v3 =	vand.u32 $0x7, v3;
	v4 =	vand.u32 $0xFFFFFFC0, v4  }
0x23: {  	v3 =	vor.u32 v3, v4  }
0x24: {  	v4 =	vperm.xlane v3, v0;
	_ =	sdelay $0x1  }
0x25: {  	v4 =	vadd.s32 v1, v4;
	_ =	sdelay $0x4  }
0x26: {  	[hbm4b:s3+s2] =	stream.indirect_vreg.scatter [tilespmem:s18], [sflag:$0x1], $0x80, v4, vm0, $0xb8;
	[tilespmem:$0x10100] =	vst v63  }
0x27: {  	s19 =	simm.s32 $0x900;
	v3 =	vperm.xlane v3, v2  }
0x28: {  	[hbm4b:s4+s2] =	stream.indirect_vreg.scatter [tilespmem:s19], [sflag:$0x1], $0x80, v4, vm0, $0xb8;
	[tilespmem:$0x10100] =	vst v63  }
0x29: {  	s20 =	simm.s32 $0x1100;
	v3 =	vadd.s32 v1, v3  }
0x2a: {  	[hbm4b:s5+s2] =	stream.indirect_vreg.scatter [tilespmem:s20], [sflag:$0x1], $0x80, v4, vm0, $0xb8;
	[tilespmem:$0x10100] =	vst v63  }
0x2b: {  	_ = 	snop  }
0x2c: {  	[hbm4b:s6+s2] =	stream.indirect_vreg.scatter [tilespmem:s21], [sflag:$0x1], $0x80, v4, vm0, $0xb8;
	[tilespmem:$0x10100] =	vst v63  }
0x2d: {  	_ = 	snop  }
0x2e: {  	[hbm4b:s3+s2] =	stream.indirect_vreg.scatter [tilespmem:s22], [sflag:$0x1], $0x80, v3, vm0, $0xb8;
	[tilespmem:$0x10100] =	vst v63  }
0x2f: {  	_ = 	snop  }
0x30: {  	[hbm4b:s4+s2] =	stream.indirect_vreg.scatter [tilespmem:s23], [sflag:$0x1], $0x80, v3, vm0, $0xb8;
	[tilespmem:$0x10100] =	vst v63  }
0x31: {  	_ = 	snop  }
0x32: {  	[hbm4b:s5+s2] =	stream.indirect_vreg.scatter [tilespmem:s24], [sflag:$0x1], $0x80, v3, vm0, $0xb8;
	[tilespmem:$0x10100] =	vst v63  }
0x33: {  	_ = 	snop  }
0x34: {  	[hbm4b:s6+s2] =	stream.indirect_vreg.scatter [tilespmem:s25], [sflag:$0x1], $0x80, v3, vm0, $0xb8;
	[tilespmem:$0x10100] =	vst v63  }
0x35: {  	v3 =	vld [tilespmem:$0x10];
	_ =	sdelay $0x4  }
0x36: {  	v57 =	vshll.u32 v3, $0x3  }
0x37: {  	v3 =	vand.u32 $0x7, v3;
	v4 =	vand.u32 $0xFFFFFFC0, v57  }
0x38: {  	v3 =	vor.u32 v3, v4  }
0x39: {  	v4 =	vperm.xlane v3, v0;
	_ =	sdelay $0x1  }
0x3a: {  	v4 =	vadd.s32 v1, v4;
	_ =	sdelay $0x4  }
0x3b: {  	[hbm4b:s3+s2] =	stream.indirect_vreg.scatter [tilespmem:s26], [sflag:$0x1], $0x80, v4, vm0, $0xb8;
	[tilespmem:$0x10100] =	vst v63  }
0x3c: {  	v3 =	vperm.xlane v3, v2  }
0x3d: {  	[hbm4b:s4+s2] =	stream.indirect_vreg.scatter [tilespmem:s28], [sflag:$0x1], $0x80, v4, vm0, $0xb8;
	[tilespmem:$0x10100] =	vst v63  }
0x3e: {  	v3 =	vadd.s32 v1, v3  }
0x3f: {  	[hbm4b:s5+s2] =	stream.indirect_vreg.scatter [tilespmem:s29], [sflag:$0x1], $0x80, v4, vm0, $0xb8;
	[tilespmem:$0x10100] =	vst v63  }
0x40: {  	_ = 	snop  }
0x41: {  	[hbm4b:s6+s2] =	stream.indirect_vreg.scatter [tilespmem:s30], [sflag:$0x1], $0x80, v4, vm0, $0xb8;
	[tilespmem:$0x10100] =	vst v63  }
0x42: {  	_ = 	snop  }
0x43: {  	[hbm4b:s3+s2] =	stream.indirect_vreg.scatter [tilespmem:s31], [sflag:$0x1], $0x80, v3, vm0, $0xb8;
	[tilespmem:$0x10100] =	vst v63  }
0x44: {  	s0 =	simm.s32 $0x6900  }
0x45: {  	[hbm4b:s4+s2] =	stream.indirect_vreg.scatter [tilespmem:s0], [sflag:$0x1], $0x80, v3, vm0, $0xb8;
	[tilespmem:$0x10100] =	vst v63  }
0x46: {  	s1 =	simm.s32 $0x7100  }
0x47: {  	[hbm4b:s5+s2] =	stream.indirect_vreg.scatter [tilespmem:s1], [sflag:$0x1], $0x80, v3, vm0, $0xb8;
	[tilespmem:$0x10100] =	vst v63  }
0x48: {  	_ = 	snop  }
0x49: {  	[hbm4b:s6+s2] =	stream.indirect_vreg.scatter [tilespmem:s10], [sflag:$0x1], $0x80, v3, vm0, $0xb8;
	[tilespmem:$0x10100] =	vst v63  }
0x4a: {  	v3 =	vld [tilespmem:$0x20];
	_ =	sdelay $0x4  }
0x4b: {  	v58 =	vshll.u32 v3, $0x3  }
0x4c: {  	v3 =	vand.u32 $0x7, v3;
	v4 =	vand.u32 $0xFFFFFFC0, v58  }
0x4d: {  	v3 =	vor.u32 v3, v4  }
0x4e: {  	v4 =	vperm.xlane v3, v0;
	_ =	sdelay $0x1  }
0x4f: {  	v4 =	vadd.s32 v1, v4;
	_ =	sdelay $0x4  }
0x50: {  	[hbm4b:s3+s2] =	stream.indirect_vreg.scatter [tilespmem:s11], [sflag:$0x1], $0x80, v4, vm0, $0xb8;
	[tilespmem:$0x10100] =	vst v63  }
0x51: {  	v3 =	vperm.xlane v3, v2  }
0x52: {  	[hbm4b:s4+s2] =	stream.indirect_vreg.scatter [tilespmem:s12], [sflag:$0x1], $0x80, v4, vm0, $0xb8;
	[tilespmem:$0x10100] =	vst v63  }
0x53: {  	v3 =	vadd.s32 v1, v3  }
0x54: {  	[hbm4b:s5+s2] =	stream.indirect_vreg.scatter [tilespmem:s13], [sflag:$0x1], $0x80, v4, vm0, $0xb8;
	[tilespmem:$0x10100] =	vst v63  }
0x55: {  	_ = 	snop  }
0x56: {  	[hbm4b:s6+s2] =	stream.indirect_vreg.scatter [tilespmem:s14], [sflag:$0x1], $0x80, v4, vm0, $0xb8;
	[tilespmem:$0x10100] =	vst v63  }
0x57: {  	_ = 	snop  }
0x58: {  	[hbm4b:s3+s2] =	stream.indirect_vreg.scatter [tilespmem:s15], [sflag:$0x1], $0x80, v3, vm0, $0xb8;
	[tilespmem:$0x10100] =	vst v63  }
0x59: {  	_ = 	snop  }
0x5a: {  	[hbm4b:s4+s2] =	stream.indirect_vreg.scatter [tilespmem:s16], [sflag:$0x1], $0x80, v3, vm0, $0xb8;
	[tilespmem:$0x10100] =	vst v63  }
0x5b: {  	_ = 	snop  }
0x5c: {  	[hbm4b:s5+s2] =	stream.indirect_vreg.scatter [tilespmem:s17], [sflag:$0x1], $0x80, v3, vm0, $0xb8;
	[tilespmem:$0x10100] =	vst v63  }
0x5d: {  	_ = 	snop  }
0x5e: {  	[hbm4b:s6+s2] =	stream.indirect_vreg.scatter [tilespmem:s8], [sflag:$0x1], $0x80, v3, vm0, $0xb8;
	[tilespmem:$0x10100] =	vst v63  }
0x5f: {  	v3 =	vld [tilespmem:$0x30];
	_ =	sdelay $0x4  }
0x60: {  	v59 =	vshll.u32 v3, $0x3  }
0x61: {  	v3 =	vand.u32 $0x7, v3;
	v4 =	vand.u32 $0xFFFFFFC0, v59  }
0x62: {  	v3 =	vor.u32 v3, v4  }
0x63: {  	v4 =	vperm.xlane v3, v0;
	_ =	sdelay $0x1  }
0x64: {  	v4 =	vadd.s32 v1, v4;
	_ =	sdelay $0x3  }
0x65: {  	s0 =	simm.s32 $0xC100  }
0x66: {  	[hbm4b:s3+s2] =	stream.indirect_vreg.scatter [tilespmem:s0], [sflag:$0x1], $0x80, v4, vm0, $0xb8;
	[tilespmem:$0x10100] =	vst v63  }
0x67: {  	v3 =	vperm.xlane v3, v2;
	s0 =	simm.s32 $0xC900  }
0x68: {  	[hbm4b:s4+s2] =	stream.indirect_vreg.scatter [tilespmem:s0], [sflag:$0x1], $0x80, v4, vm0, $0xb8;
	[tilespmem:$0x10100] =	vst v63  }
0x69: {  	v3 =	vadd.s32 v1, v3;
	s0 =	simm.s32 $0xD100  }
0x6a: {  	[hbm4b:s5+s2] =	stream.indirect_vreg.scatter [tilespmem:s0], [sflag:$0x1], $0x80, v4, vm0, $0xb8;
	[tilespmem:$0x10100] =	vst v63  }
0x6b: {  	s0 =	simm.s32 $0xD900  }
0x6c: {  	[hbm4b:s6+s2] =	stream.indirect_vreg.scatter [tilespmem:s0], [sflag:$0x1], $0x80, v4, vm0, $0xb8;
	[tilespmem:$0x10100] =	vst v63  }
0x6d: {  	s0 =	simm.s32 $0xE100  }
0x6e: {  	[hbm4b:s3+s2] =	stream.indirect_vreg.scatter [tilespmem:s0], [sflag:$0x1], $0x80, v3, vm0, $0xb8;
	[tilespmem:$0x10100] =	vst v63  }
0x6f: {  	s0 =	simm.s32 $0xE900  }
0x70: {  	[hbm4b:s4+s2] =	stream.indirect_vreg.scatter [tilespmem:s0], [sflag:$0x1], $0x80, v3, vm0, $0xb8;
	[tilespmem:$0x10100] =	vst v63  }
0x71: {  	s0 =	simm.s32 $0xF100  }
0x72: {  	[hbm4b:s5+s2] =	stream.indirect_vreg.scatter [tilespmem:s0], [sflag:$0x1], $0x80, v3, vm0, $0xb8;
	[tilespmem:$0x10100] =	vst v63  }
0x73: {  	s0 =	simm.s32 $0xF900  }
0x74: {  	[hbm4b:s6+s2] =	stream.indirect_vreg.scatter [tilespmem:s0], [sflag:$0x1], $0x80, v3, vm0, $0xb8;
	[tilespmem:$0x10100] =	vst v63  }
0x75: {  	v3 =	vld [tilespmem:$0x80];
	_ =	sdelay $0x4  }
0x76: {  	v60 =	vshll.u32 v3, $0x3  }
0x77: {  	v3 =	vand.u32 $0x7, v3;
	v4 =	vand.u32 $0xFFFFFFC0, v60  }
0x78: {  	v3 =	vor.u32 v3, v4  }
0x79: {  	v4 =	vperm.xlane v3, v0;
	_ =	sdelay $0x1  }
0x7a: {  	v4 =	vadd.s32 v1, v4;
	_ =	sdelay $0x4  }
0x7b: {  	[hbm4b:s3+s2] =	stream.indirect_vreg.scatter [tilespmem:s18], [sflag:$0x1], $0x80, v4, vm0, $0xb8;
	[tilespmem:$0x10100] =	vst v63  }
0x7c: {  	v3 =	vperm.xlane v3, v2  }
0x7d: {  	[hbm4b:s4+s2] =	stream.indirect_vreg.scatter [tilespmem:s19], [sflag:$0x1], $0x80, v4, vm0, $0xb8;
	[tilespmem:$0x10100] =	vst v63  }
0x7e: {  	v3 =	vadd.s32 v1, v3  }
0x7f: {  	[hbm4b:s5+s2] =	stream.indirect_vreg.scatter [tilespmem:s20], [sflag:$0x1], $0x80, v4, vm0, $0xb8;
	[tilespmem:$0x10100] =	vst v63  }
0x80: {  	_ = 	snop  }
0x81: {  	[hbm4b:s6+s2] =	stream.indirect_vreg.scatter [tilespmem:s21], [sflag:$0x1], $0x80, v4, vm0, $0xb8;
	[tilespmem:$0x10100] =	vst v63  }
0x82: {  	_ = 	snop  }
0x83: {  	[hbm4b:s3+s2] =	stream.indirect_vreg.scatter [tilespmem:s22], [sflag:$0x1], $0x80, v3, vm0, $0xb8;
	[tilespmem:$0x10100] =	vst v63  }
0x84: {  	_ = 	snop  }
0x85: {  	[hbm4b:s4+s2] =	stream.indirect_vreg.scatter [tilespmem:s23], [sflag:$0x1], $0x80, v3, vm0, $0xb8;
	[tilespmem:$0x10100] =	vst v63  }
0x86: {  	_ = 	snop  }
0x87: {  	[hbm4b:s5+s2] =	stream.indirect_vreg.scatter [tilespmem:s24], [sflag:$0x1], $0x80, v3, vm0, $0xb8;
	[tilespmem:$0x10100] =	vst v63  }
0x88: {  	_ = 	snop  }
0x89: {  	[hbm4b:s6+s2] =	stream.indirect_vreg.scatter [tilespmem:s25], [sflag:$0x1], $0x80, v3, vm0, $0xb8;
	[tilespmem:$0x10100] =	vst v63  }
0x8a: {  	v3 =	vld [tilespmem:$0x90];
	_ =	sdelay $0x4  }
0x8b: {  	v61 =	vshll.u32 v3, $0x3  }
0x8c: {  	v3 =	vand.u32 $0x7, v3;
	v4 =	vand.u32 $0xFFFFFFC0, v61  }
0x8d: {  	v3 =	vor.u32 v3, v4  }
0x8e: {  	v4 =	vperm.xlane v3, v0;
	_ =	sdelay $0x1  }
0x8f: {  	v4 =	vadd.s32 v1, v4;
	_ =	sdelay $0x4  }
0x90: {  	[hbm4b:s3+s2] =	stream.indirect_vreg.scatter [tilespmem:s26], [sflag:$0x1], $0x80, v4, vm0, $0xb8;
	[tilespmem:$0x10100] =	vst v63  }
0x91: {  	v3 =	vperm.xlane v3, v2  }
0x92: {  	[hbm4b:s4+s2] =	stream.indirect_vreg.scatter [tilespmem:s28], [sflag:$0x1], $0x80, v4, vm0, $0xb8;
	[tilespmem:$0x10100] =	vst v63  }
0x93: {  	v3 =	vadd.s32 v1, v3  }
0x94: {  	[hbm4b:s5+s2] =	stream.indirect_vreg.scatter [tilespmem:s29], [sflag:$0x1], $0x80, v4, vm0, $0xb8;
	[tilespmem:$0x10100] =	vst v63  }
0x95: {  	_ = 	snop  }
0x96: {  	[hbm4b:s6+s2] =	stream.indirect_vreg.scatter [tilespmem:s30], [sflag:$0x1], $0x80, v4, vm0, $0xb8;
	[tilespmem:$0x10100] =	vst v63  }
0x97: {  	_ = 	snop  }
0x98: {  	[hbm4b:s3+s2] =	stream.indirect_vreg.scatter [tilespmem:s31], [sflag:$0x1], $0x80, v3, vm0, $0xb8;
	[tilespmem:$0x10100] =	vst v63  }
0x99: {  	s20 =	simm.s32 $0x6900  }
0x9a: {  	[hbm4b:s4+s2] =	stream.indirect_vreg.scatter [tilespmem:s20], [sflag:$0x1], $0x80, v3, vm0, $0xb8;
	[tilespmem:$0x10100] =	vst v63  }
0x9b: {  	_ = 	snop  }
0x9c: {  	[hbm4b:s5+s2] =	stream.indirect_vreg.scatter [tilespmem:s1], [sflag:$0x1], $0x80, v3, vm0, $0xb8;
	[tilespmem:$0x10100] =	vst v63  }
0x9d: {  	_ = 	snop  }
0x9e: {  	[hbm4b:s6+s2] =	stream.indirect_vreg.scatter [tilespmem:s10], [sflag:$0x1], $0x80, v3, vm0, $0xb8;
	[tilespmem:$0x10100] =	vst v63  }
0x9f: {  	v3 =	vld [tilespmem:$0xA0];
	_ =	sdelay $0x4  }
0xa0: {  	v62 =	vshll.u32 v3, $0x3  }
0xa1: {  	v3 =	vand.u32 $0x7, v3;
	v4 =	vand.u32 $0xFFFFFFC0, v62  }
0xa2: {  	v3 =	vor.u32 v3, v4  }
0xa3: {  	v4 =	vperm.xlane v3, v0;
	_ =	sdelay $0x1  }
0xa4: {  	v4 =	vadd.s32 v1, v4;
	_ =	sdelay $0x4  }
0xa5: {  	[hbm4b:s3+s2] =	stream.indirect_vreg.scatter [tilespmem:s11], [sflag:$0x1], $0x80, v4, vm0, $0xb8;
	[tilespmem:$0x10100] =	vst v63  }
0xa6: {  	v3 =	vperm.xlane v3, v2  }
0xa7: {  	[hbm4b:s4+s2] =	stream.indirect_vreg.scatter [tilespmem:s12], [sflag:$0x1], $0x80, v4, vm0, $0xb8;
	[tilespmem:$0x10100] =	vst v63  }
0xa8: {  	v3 =	vadd.s32 v1, v3  }
0xa9: {  	[hbm4b:s5+s2] =	stream.indirect_vreg.scatter [tilespmem:s13], [sflag:$0x1], $0x80, v4, vm0, $0xb8;
	[tilespmem:$0x10100] =	vst v63  }
0xaa: {  	_ = 	snop  }
0xab: {  	[hbm4b:s6+s2] =	stream.indirect_vreg.scatter [tilespmem:s14], [sflag:$0x1], $0x80, v4, vm0, $0xb8;
	[tilespmem:$0x10100] =	vst v63  }
0xac: {  	_ = 	snop  }
0xad: {  	[hbm4b:s3+s2] =	stream.indirect_vreg.scatter [tilespmem:s15], [sflag:$0x1], $0x80, v3, vm0, $0xb8;
	[tilespmem:$0x10100] =	vst v63  }
0xae: {  	_ = 	snop  }
0xaf: {  	[hbm4b:s4+s2] =	stream.indirect_vreg.scatter [tilespmem:s16], [sflag:$0x1], $0x80, v3, vm0, $0xb8;
	[tilespmem:$0x10100] =	vst v63  }
0xb0: {  	_ = 	snop  }
0xb1: {  	[hbm4b:s5+s2] =	stream.indirect_vreg.scatter [tilespmem:s17], [sflag:$0x1], $0x80, v3, vm0, $0xb8;
	[tilespmem:$0x10100] =	vst v63  }
0xb2: {  	_ = 	snop  }
0xb3: {  	[hbm4b:s6+s2] =	stream.indirect_vreg.scatter [tilespmem:s8], [sflag:$0x1], $0x80, v3, vm0, $0xb8;
	[tilespmem:$0x10100] =	vst v63  }
0xb4: {  	v3 =	vld [tilespmem:$0xB0];
	_ =	sdelay $0x4  }
0xb5: {  	v63 =	vshll.u32 v3, $0x3  }
0xb6: {  	v3 =	vand.u32 $0x7, v3;
	v4 =	vand.u32 $0xFFFFFFC0, v63  }
0xb7: {  	v3 =	vor.u32 v3, v4  }
0xb8: {  	v4 =	vperm.xlane v3, v0;
	_ =	sdelay $0x1  }
0xb9: {  	v4 =	vadd.s32 v1, v4;
	_ =	sdelay $0x3  }
0xba: {  	s19 =	simm.s32 $0xC100  }
0xbb: {  	[hbm4b:s3+s2] =	stream.indirect_vreg.scatter [tilespmem:s19], [sflag:$0x1], $0x80, v4, vm0, $0xb8;
	[tilespmem:$0x10100] =	vst v63  }
0xbc: {  	s20 =	simm.s32 $0xC900;
	v3 =	vperm.xlane v3, v2  }
0xbd: {  	[hbm4b:s4+s2] =	stream.indirect_vreg.scatter [tilespmem:s20], [sflag:$0x1], $0x80, v4, vm0, $0xb8;
	[tilespmem:$0x10100] =	vst v63  }
0xbe: {  	s18 =	simm.s32 $0xD100;
	v3 =	vadd.s32 v1, v3  }
0xbf: {  	[hbm4b:s5+s2] =	stream.indirect_vreg.scatter [tilespmem:s18], [sflag:$0x1], $0x80, v4, vm0, $0xb8;
	[tilespmem:$0x10100] =	vst v63  }
0xc0: {  	s19 =	simm.s32 $0xD900  }
0xc1: {  	[hbm4b:s6+s2] =	stream.indirect_vreg.scatter [tilespmem:s19], [sflag:$0x1], $0x80, v4, vm0, $0xb8;
	[tilespmem:$0x10100] =	vst v63  }
0xc2: {  	s20 =	simm.s32 $0xE100  }
0xc3: {  	[hbm4b:s3+s2] =	stream.indirect_vreg.scatter [tilespmem:s20], [sflag:$0x1], $0x80, v3, vm0, $0xb8;
	[tilespmem:$0x10100] =	vst v63  }
0xc4: {  	s18 =	simm.s32 $0xE900  }
0xc5: {  	[hbm4b:s4+s2] =	stream.indirect_vreg.scatter [tilespmem:s18], [sflag:$0x1], $0x80, v3, vm0, $0xb8;
	[tilespmem:$0x10100] =	vst v63  }
0xc6: {  	s19 =	simm.s32 $0xF100  }
0xc7: {  	[hbm4b:s5+s2] =	stream.indirect_vreg.scatter [tilespmem:s19], [sflag:$0x1], $0x80, v3, vm0, $0xb8;
	[tilespmem:$0x10100] =	vst v63  }
0xc8: {  	s20 =	simm.s32 $0x1  }
0xc9: {  	[hbm4b:s6+s2] =	stream.indirect_vreg.scatter [tilespmem:s0], [sflag:$0x1], $0x80, v3, vm0, $0xb8;
	[tilespmem:$0x10100] =	vst v63  }
0xca: {  	p0 =	sne.s32 s7, $0x1;
	_ =	swait.ge [sflag:s20], $0x10000  }
.Ltmp0:
0xcb: {  	[sflag:s20] =	ssyncset.done $0x0;
	(pc) =	sbr.rel @p0 .LBB2_1-.Ltmp0, $4  }
0xcc: {  	[sflag:s20] =	ssyncadd.s32 $0xFFFF0000  }
0xcd: {  	_ =	swait.ge [sflag:s20], $0x10000  }
0xce: {  	[sflag:s20] =	ssyncset.done $0x0  }
0xcf: {  	s7 =	sadd.s32 $0xFFFFFFFF, s7;
	[sflag:s20] =	ssyncadd.s32 $0xFFFF0000  }
0xd0: {  	_ =	sfence.sel $0x180000  }
0xd1: {  	[bflag:$0x0] =	sbarrier.arrive $0xFFFF  }
0xd2: {  	_ =	strace $0x90000047  }
0xd3: {  	s0 =	stileid.u32;
	[bflag:$0x2] =	sbarrier.arrive $0xFFFF  }
0xd4: {  	p0 =	sne.s32 s0, $0x0;
	s0 =	rddreg [dreg:$0x2]  }
0xd5: {  	s0 =	sadd.s32 @!p0 $0x100000, s0  }
0xd6: {  	[sflag:s0] =	ssyncadd.tile.s32 @!p0 $0x1;
	_ =	shalt  }
.Lfunc_end2:
_tile_overlayer_lowered:
.L_overlay_start_2:
0xd7: {  	(tag) =	ssettag $0x2  }
0xd8: {  	s0 =	rddreg [dreg:$0x0];
	s2 =	stileid.u32  }
0xd9: {  	s1 =	rddreg [dreg:$0x1];
	p0 =	sne.s32 s2, $0x0  }
0xda: {  	s3 =	rddreg [dreg:$0x2];
	[bflag:$0x3] =	sbarrier.arrive $0xFFFF;
	s2 =	simm.s32 @!p0 $0x1C02  }
0xdb: {  	[timem:s3], [sflag:s2] =	dma.local @!p0 [hbm:s0], s1  }
0xdc: {  	s0 =	simm.s32 @!p0 $0x2  }
0xdd: {  	_ =	swait.ge @!p0 [sflag:s0], s1  }
0xde: {  	s1 =	ssub.s32 @!p0 $0x0, s1;
	[sflag:s0] =	ssyncset.done @!p0 $0x0  }
0xdf: {  	[sflag:s0] =	ssyncadd.s32 @!p0 s1  }
0xe0: {  	[bflag:$0x3] =	sbarrier.arrive $0xFFFF  }
0xe1: {  	_ =	shalt  }

</sc_bundles>
